<compile_context>
chip_gen: v7x
topology: tpu7x:2x2x1
jax: 0.10.2.dev20260603
libtpu: 0.0.44.dev20260713+nightly
codegen_flags: <defaults>
</compile_context>

<pallas_src>
import functools
import jax
import jax.numpy as jnp
from jax import lax
from jax.experimental import pallas as pl
from jax.experimental.pallas import tpu as pltpu
from jax.experimental.pallas import tpu_sc as plsc

_MA = 13
_TS = 256
_NW = 32


def _splits(total, cap=128):
    out, off = [], 0
    while off < total:
        sz = min(cap, total - off)
        out.append((off, sz))
        off += sz
    return out


def _seg_mm_kernel(tile_r, id_r, ls_r, le_r, x0_ref, x1_ref, w_ref, b_ref,
                   o0_ref, o1_ref):
    i = pl.program_id(0)
    ls = ls_r[i]
    le = le_r[i]
    rows = lax.broadcasted_iota(jnp.int32, (_TS, 1), 0)
    m = (rows >= ls) & (rows < le)
    wmat = w_ref[0]
    bvec = b_ref[0, 0]
    xb0 = x0_ref[:, :64].astype(jnp.bfloat16)
    xb1 = x1_ref[:, :64].astype(jnp.bfloat16)
    y0 = jnp.maximum(
        jnp.dot(xb0, wmat, preferred_element_type=jnp.float32) + bvec, 0.0)
    y1 = jnp.maximum(
        jnp.dot(xb1, wmat, preferred_element_type=jnp.float32) + bvec, 0.0)
    o0_ref[:] = jnp.where(m, y0, o0_ref[:])
    o1_ref[:] = jnp.where(m, y1, o1_ref[:])


def _wid():
    return lax.axis_index("s") * 2 + lax.axis_index("c")


def _make_ids_kernel(Fpad):
    E = Fpad // _NW
    mesh = plsc.VectorSubcoreMesh(core_axis_name="c", subcore_axis_name="s")

    @functools.partial(
        pl.kernel, mesh=mesh,
        out_type=jax.ShapeDtypeStruct((Fpad,), jnp.int32),
        scratch_types=[
            pltpu.VMEM((E,), jnp.int32),
            pltpu.VMEM((E,), jnp.int32),
            pltpu.VMEM((E,), jnp.int32),
            pltpu.SemaphoreType.DMA,
        ],
    )
    def ids_kernel(x1_hbm, x2_hbm, f0_hbm, ids_hbm, fv, a1v, a2v, sem):
        base = _wid() * E
        pltpu.sync_copy(f0_hbm.at[pl.ds(base, E)], fv)
        cps = []
        for off, sz in _splits(E):
            sl = pl.ds(off, sz)
            cps.append(pltpu.async_copy(x1_hbm.at[fv.at[sl]], a1v.at[sl], sem))
            cps.append(pltpu.async_copy(x2_hbm.at[fv.at[sl]], a2v.at[sl], sem))
        for cp in cps:
            cp.wait()
        for k in range(E // 16):
            sl = pl.ds(k * 16, 16)
            fv[sl] = a1v[sl] * _MA + a2v[sl]
        pltpu.sync_copy(fv, ids_hbm.at[pl.ds(base, E)])

    return ids_kernel


def _make_gather_rows_kernel(N, Fpad):
    E = Fpad // _NW
    mesh = plsc.VectorSubcoreMesh(core_axis_name="c", subcore_axis_name="s")

    @functools.partial(
        pl.kernel, mesh=mesh,
        out_type=[jax.ShapeDtypeStruct((Fpad, 128), jnp.float32)] * 2,
        scratch_types=[
            pltpu.VMEM((E,), jnp.int32),
            pltpu.VMEM((E,), jnp.int32),
            pltpu.VMEM((E,), jnp.int32),
            pltpu.VMEM((E, 128), jnp.float32),
            pltpu.VMEM((E, 128), jnp.float32),
            pltpu.SemaphoreType.DMA,
        ],
    )
    def gather_kernel(order_hbm, f0_hbm, f1_hbm, nodes_hbm, xs0_hbm, xs1_hbm,
                      ov, g0v, g1v, r0v, r1v, sem):
        base = _wid() * E
        pltpu.sync_copy(order_hbm.at[pl.ds(base, E)], ov)
        cps = []
        for off, sz in _splits(E):
            sl = pl.ds(off, sz)
            cps.append(pltpu.async_copy(f0_hbm.at[ov.at[sl]], g0v.at[sl], sem))
            cps.append(pltpu.async_copy(f1_hbm.at[ov.at[sl]], g1v.at[sl], sem))
        for cp in cps:
            cp.wait()
        cps = []
        for off, sz in _splits(E):
            sl = pl.ds(off, sz)
            cps.append(pltpu.async_copy(nodes_hbm.at[g0v.at[sl]], r0v.at[sl], sem))
            cps.append(pltpu.async_copy(nodes_hbm.at[g1v.at[sl]], r1v.at[sl], sem))
        for cp in cps:
            cp.wait()
        pltpu.sync_copy(r0v, xs0_hbm.at[pl.ds(base, E)])
        pltpu.sync_copy(r1v, xs1_hbm.at[pl.ds(base, E)])

    return gather_kernel


def _make_unsort_kernel(R, F, Fpad):
    E = Fpad // _NW
    cut = F % E
    subs = []
    off = 0
    for lim in ([cut] if 0 < cut < E else []) + [E]:
        while off < lim:
            sz = min(120, lim - off)
            subs.append((off, sz))
            off += sz
    mesh = plsc.VectorSubcoreMesh(core_axis_name="c", subcore_axis_name="s")

    @functools.partial(
        pl.kernel, mesh=mesh,
        out_type=jax.ShapeDtypeStruct((2, F, R), jnp.float32),
        scratch_types=[
            pltpu.VMEM((E,), jnp.int32),
            pltpu.VMEM((E, R), jnp.float32),
            pltpu.VMEM((E, R), jnp.float32),
            pltpu.SemaphoreType.DMA,
        ],
    )
    def unsort_kernel(rank_hbm, ys0_hbm, ys1_hbm, out_hbm, rv, r0v, r1v, sem):
        base = _wid() * E
        pltpu.sync_copy(rank_hbm.at[pl.ds(base, E)], rv)
        for off, sz in subs:
            sl = pl.ds(off, sz)

            @pl.when(base + off < F)
            def _():
                cp0 = pltpu.async_copy(ys0_hbm.at[rv.at[sl]], r0v.at[sl], sem)
                cp1 = pltpu.async_copy(ys1_hbm.at[rv.at[sl]], r1v.at[sl], sem)
                cp0.wait()
                cp1.wait()
                pltpu.sync_copy(r0v.at[sl], out_hbm.at[0, pl.ds(base + off, sz)])
                pltpu.sync_copy(r1v.at[sl], out_hbm.at[1, pl.ds(base + off, sz)])

    return unsort_kernel


def kernel(x, nodes, fact, fact_dim, params, bias):
    del fact_dim
    F = fact.shape[0]
    N = nodes.shape[0]
    L = nodes.shape[1]
    P = params.shape[0]
    R = params.shape[2]
    NT = (F + _TS - 1) // _TS
    Fpad = NT * _TS
    assert Fpad % _NW == 0 and (Fpad // _NW) % 16 == 0
    WMAX = P + NT

    zpad = jnp.zeros((Fpad - F,), jnp.int32)
    f0 = jnp.concatenate([fact[:, 0].astype(jnp.int32), zpad])
    f1 = jnp.concatenate([fact[:, 1].astype(jnp.int32), zpad])
    x1 = x[:, 1].astype(jnp.int32)
    x2 = x[:, 2].astype(jnp.int32)
    nodes_pad = jnp.concatenate(
        [nodes, jnp.zeros((N, 128 - L), jnp.float32)], axis=1)

    ids_p = _make_ids_kernel(Fpad)(x1, x2, f0)

    iota = jnp.arange(Fpad, dtype=jnp.int32)
    sorted_ids, order = lax.sort_key_val(ids_p, iota)
    prev = jnp.concatenate([jnp.full((1,), -1, jnp.int32), sorted_ids[:-1]])
    flags = (sorted_ids != prev) | (iota % _TS == 0)
    pos = jnp.cumsum(flags.astype(jnp.int32)) - 1
    starts = (jnp.full((WMAX,), Fpad, jnp.int32)
              .at[jnp.where(flags, pos, WMAX)].set(iota, mode="drop"))
    ends = jnp.concatenate([starts[1:], jnp.full((1,), Fpad, jnp.int32)])
    tile_w = jnp.minimum(starts // _TS, NT - 1).astype(jnp.int32)
    ls_w = (starts - tile_w * _TS).astype(jnp.int32)
    le_w = (jnp.minimum(ends, (tile_w + 1) * _TS) - tile_w * _TS).astype(jnp.int32)
    id_w = sorted_ids[jnp.minimum(starts, Fpad - 1)]
    rank = jnp.zeros((Fpad,), jnp.int32).at[order].set(iota)

    xs0, xs1 = _make_gather_rows_kernel(N, Fpad)(order, f0, f1, nodes_pad)

    grid_spec = pltpu.PrefetchScalarGridSpec(
        num_scalar_prefetch=4,
        grid=(WMAX,),
        in_specs=[
            pl.BlockSpec((_TS, 128), lambda w, t, i, s, e: (t[w], 0)),
            pl.BlockSpec((_TS, 128), lambda w, t, i, s, e: (t[w], 0)),
            pl.BlockSpec((1, L, R), lambda w, t, i, s, e: (i[w], 0, 0)),
            pl.BlockSpec((1, 1, R), lambda w, t, i, s, e: (i[w], 0, 0)),
        ],
        out_specs=[
            pl.BlockSpec((_TS, R), lambda w, t, i, s, e: (t[w], 0)),
            pl.BlockSpec((_TS, R), lambda w, t, i, s, e: (t[w], 0)),
        ],
    )
    ys0, ys1 = pl.pallas_call(
        _seg_mm_kernel,
        grid_spec=grid_spec,
        out_shape=[jax.ShapeDtypeStruct((Fpad, R), jnp.float32)] * 2,
    )(tile_w, id_w, ls_w, le_w, xs0, xs1,
      params.astype(jnp.bfloat16), bias)

    return _make_unsort_kernel(R, F, Fpad)(rank, ys0, ys1)

# --- scband reference (transcript-rebuilt; emitter-appended) ---
"""Pipeline reference for scband-fgnet-type-b-2920577761788 (READ-ONLY COPY).

The authoritative reference and input builder live on the scoring server;
editing this copy changes nothing except your own understanding.
"""

import jax, jax.numpy as jnp
import numpy as np

LATENT = 64
RANK = 128
MAX_ATOMS = 13
NUM_PARAMS = MAX_ATOMS ** 2  # 169


def setup_inputs(seed: int = 0) -> dict:
    key = jax.random.key(seed)
    k1, k2, k3, k4, k5 = jax.random.split(key, 5)
    N = 10000
    F = 10000
    x = jax.random.randint(k1, (N, 3), 0, MAX_ATOMS)
    nodes = jax.random.normal(k2, (N, LATENT), dtype=jnp.float32)
    fact = jax.random.randint(k3, (F, 2), 0, N)
    params = jax.random.normal(k4, (NUM_PARAMS, LATENT, RANK), dtype=jnp.float32) * 0.02
    bias = jax.random.normal(k5, (NUM_PARAMS, 1, RANK), dtype=jnp.float32) * 0.02
    return {"x": x, "nodes": nodes, "fact": fact, "fact_dim": 2, "params": params, "bias": bias}


def reference(x, nodes, fact, fact_dim, params, bias):
    # fact_type == 'A' (string arg in the torch module; baked in here)
    F_ = fact.shape[0]
    N = nodes.shape[0]
    numer = jnp.arange(F_)
    sub_fact = fact
    nodes_to_edges = []
    transform_lst = []
    for i in range(sub_fact.shape[1]):
        # scatter-overwrite into a flat dense [N*F] buffer (torch: view(-1)[idx] = 1)
        flat = jnp.zeros((N * F_,), dtype=nodes.dtype)
        flat = flat.at[sub_fact[:, i] * F_ + numer].set(1.0)
        nodes_to_edges.append(flat.reshape(N, F_))
        # gather atom pairs and per-edge parameter slices
        atom_pairs = x[fact[:, 0]][:, 1:]
        ids = atom_pairs[:, 0] * MAX_ATOMS + atom_pairs[:, 1]
        rnodes = nodes[sub_fact[:, i]]
        w = params.reshape(NUM_PARAMS, LATENT * RANK)[ids].reshape(-1, LATENT, RANK)
        b = bias[ids]
        transform = rnodes[:, None, :] @ w + b  # [F,1,RANK]
        transform_lst.append(transform[:, 0, :][None])
    transform_cat = jax.nn.relu(jnp.concatenate(transform_lst, axis=0))  # [k, F, RANK]
    # message-passing accumulation exactly as in the torch forward (msg is a zeros buffer)
    node_msg = None
    for i in range(sub_fact.shape[1]):
        current_msg_x = jnp.zeros((F_, LATENT), dtype=nodes.dtype)
        m = nodes_to_edges[i] @ current_msg_x
        node_msg = m if node_msg is None else node_msg + m
    # the torch forward has no return; transform_cat is the meaningful computed tensor
    return transform_cat

if __name__ == "__main__":
    import jax
    _d = setup_inputs()
    print(jax.jit(kernel)(*tuple(_d.values())))

</pallas_src>

<mosaic_0001>
#map = affine_map<(d0, d1) -> (0)>
#map1 = affine_map<(d0, d1) -> (0, 0)>
#map2 = affine_map<(d0, d1) -> (0, 0, 0)>
module attributes {stable_mosaic.version = 14 : i64} {
  func.func @unsort_kernel(%arg0: i32, %arg1: i32, %arg2: memref<10240xi32, #tpu.memory_space<hbm>>, %arg3: memref<10240x128xf32, #tpu.memory_space<hbm>>, %arg4: memref<10240x128xf32, #tpu.memory_space<hbm>>, %arg5: memref<2x10000x128xf32, #tpu.memory_space<hbm>>, %arg6: memref<320xi32, #tpu.memory_space<vmem>>, %arg7: memref<320x128xf32, #tpu.memory_space<vmem>>, %arg8: memref<320x128xf32, #tpu.memory_space<vmem>>, %arg9: memref<!tpu.dma_semaphore, #tpu.memory_space<semaphore_mem>>) attributes {dimension_semantics = [#tpu.dimension_semantics<core_parallel>, #tpu.dimension_semantics<subcore_parallel>], iteration_bounds = array<i64: 2, 16>, scalar_prefetch = 0 : i64, scratch_operands = 4 : i64, tpu.core_type = #tpu.core_type<sc_vector_subcore>, window_params = [{transform_indices = #map}, {transform_indices = #map1}, {transform_indices = #map1}, {transform_indices = #map2}]} {
    %mul3A = arith.constant 2 : i32
    %mul3A_0 = arith.muli %arg1, %mul3A : i32
    %add3A = arith.addi %mul3A_0, %arg0 : i32
    %mul3A_1 = arith.constant 320 : i32
    %mul3A_2 = arith.muli %add3A, %mul3A_1 : i32
    "tpu.region"() ({
      %run_scoped3A = tpu.sem_alloc : memref<!tpu.dma_semaphore, #tpu.memory_space<semaphore_mem>>
      %dma_start3A = tpu.memref_slice %arg2[%mul3A_2] : memref<10240xi32, #tpu.memory_space<hbm>> -> memref<320xi32, #tpu.memory_space<hbm>>
      %dma_start3A_21 = tpu.memref_slice %arg2[%mul3A_2] : memref<10240xi32, #tpu.memory_space<hbm>> -> memref<320xi32, #tpu.memory_space<hbm>>
      tpu.enqueue_dma source(%dma_start3A_21 : memref<320xi32, #tpu.memory_space<hbm>>) target(%arg6 : memref<320xi32, #tpu.memory_space<vmem>>) target_semaphore(%run_scoped3A : memref<!tpu.dma_semaphore, #tpu.memory_space<semaphore_mem>>)
      %dma_wait3A = tpu.memref_slice %arg2[%mul3A_2] : memref<10240xi32, #tpu.memory_space<hbm>> -> memref<320xi32, #tpu.memory_space<hbm>>
      %dma_wait3A_22 = tpu.memref_slice %arg2[%mul3A_2] : memref<10240xi32, #tpu.memory_space<hbm>> -> memref<320xi32, #tpu.memory_space<hbm>>
      tpu.wait_dma2 semaphore(%run_scoped3A : memref<!tpu.dma_semaphore, #tpu.memory_space<semaphore_mem>>) src(%dma_wait3A_22 : memref<320xi32, #tpu.memory_space<hbm>>) dst(%arg6 : memref<320xi32, #tpu.memory_space<vmem>>)
      tpu.yield
    }) : () -> ()
    %add3A_3 = arith.constant 0 : i32
    %add3A_4 = arith.addi %mul3A_2, %add3A_3 : i32
    %lt3A = arith.constant 10000 : i32
    %lt3A_5 = arith.cmpi slt, %add3A_4, %lt3A : i32
    %convert_element_type3A = arith.extui %lt3A_5 : i1 to i32
    %cond3A = arith.constant 0 : i32
    %cond3A_6 = arith.cmpi ne, %convert_element_type3A, %cond3A : i32
    scf.if %cond3A_6 {
      %dma_start3A = arith.constant 0 : i32
      %dma_start3A_21 = arith.constant 0 : i32
      %dma_start3A_22 = tpu.memref_slice %arg7[%dma_start3A, %dma_start3A_21] : memref<320x128xf32, #tpu.memory_space<vmem>> -> memref<80x128xf32, #tpu.memory_space<vmem>>
      %dma_start3A_23 = arith.constant 0 : i32
      %dma_start3A_24 = tpu.memref_slice %arg6[%dma_start3A_23] : memref<320xi32, #tpu.memory_space<vmem>> -> memref<80xi32, #tpu.memory_space<vmem>>
      %dma_start3A_25 = arith.constant 0 : i32
      %dma_start3A_26 = arith.constant 0 : i32
      %dma_start3A_27 = tpu.memref_slice %arg3[%dma_start3A_25, %dma_start3A_26] : memref<10240x128xf32, #tpu.memory_space<hbm>> -> memref<10240x128xf32, #tpu.memory_space<hbm>>
      tpu.enqueue_indirect_dma source(%dma_start3A_27 : memref<10240x128xf32, #tpu.memory_space<hbm>>) target(%dma_start3A_22 : memref<80x128xf32, #tpu.memory_space<vmem>>) offsets(%dma_start3A_24 : memref<80xi32, #tpu.memory_space<vmem>>) semaphore(%arg9 : memref<!tpu.dma_semaphore, #tpu.memory_space<semaphore_mem>>)
      %dma_start3A_28 = arith.constant 0 : i32
      %dma_start3A_29 = arith.constant 0 : i32
      %dma_start3A_30 = tpu.memref_slice %arg8[%dma_start3A_28, %dma_start3A_29] : memref<320x128xf32, #tpu.memory_space<vmem>> -> memref<80x128xf32, #tpu.memory_space<vmem>>
      %dma_start3A_31 = arith.constant 0 : i32
      %dma_start3A_32 = tpu.memref_slice %arg6[%dma_start3A_31] : memref<320xi32, #tpu.memory_space<vmem>> -> memref<80xi32, #tpu.memory_space<vmem>>
      %dma_start3A_33 = arith.constant 0 : i32
      %dma_start3A_34 = arith.constant 0 : i32
      %dma_start3A_35 = tpu.memref_slice %arg4[%dma_start3A_33, %dma_start3A_34] : memref<10240x128xf32, #tpu.memory_space<hbm>> -> memref<10240x128xf32, #tpu.memory_space<hbm>>
      tpu.enqueue_indirect_dma source(%dma_start3A_35 : memref<10240x128xf32, #tpu.memory_space<hbm>>) target(%dma_start3A_30 : memref<80x128xf32, #tpu.memory_space<vmem>>) offsets(%dma_start3A_32 : memref<80xi32, #tpu.memory_space<vmem>>) semaphore(%arg9 : memref<!tpu.dma_semaphore, #tpu.memory_space<semaphore_mem>>)
      %dma_wait3A = arith.constant 0 : i32
      %dma_wait3A_36 = arith.constant 0 : i32
      %dma_wait3A_37 = tpu.memref_slice %arg7[%dma_wait3A, %dma_wait3A_36] : memref<320x128xf32, #tpu.memory_space<vmem>> -> memref<80x128xf32, #tpu.memory_space<vmem>>
      %dma_wait3A_38 = arith.constant 0 : i32
      %dma_wait3A_39 = tpu.memref_slice %arg6[%dma_wait3A_38] : memref<320xi32, #tpu.memory_space<vmem>> -> memref<80xi32, #tpu.memory_space<vmem>>
      %dma_wait3A_40 = arith.constant 0 : i32
      %dma_wait3A_41 = arith.constant 0 : i32
      %dma_wait3A_42 = tpu.memref_slice %arg3[%dma_wait3A_40, %dma_wait3A_41] : memref<10240x128xf32, #tpu.memory_space<hbm>> -> memref<10240x128xf32, #tpu.memory_space<hbm>>
      tpu.wait_indirect_dma semaphore(%arg9 : memref<!tpu.dma_semaphore, #tpu.memory_space<semaphore_mem>>) src(%dma_wait3A_42 : memref<10240x128xf32, #tpu.memory_space<hbm>>) dst(%dma_wait3A_37 : memref<80x128xf32, #tpu.memory_space<vmem>>)
      %dma_wait3A_43 = arith.constant 0 : i32
      %dma_wait3A_44 = arith.constant 0 : i32
      %dma_wait3A_45 = tpu.memref_slice %arg8[%dma_wait3A_43, %dma_wait3A_44] : memref<320x128xf32, #tpu.memory_space<vmem>> -> memref<80x128xf32, #tpu.memory_space<vmem>>
      %dma_wait3A_46 = arith.constant 0 : i32
      %dma_wait3A_47 = tpu.memref_slice %arg6[%dma_wait3A_46] : memref<320xi32, #tpu.memory_space<vmem>> -> memref<80xi32, #tpu.memory_space<vmem>>
      %dma_wait3A_48 = arith.constant 0 : i32
      %dma_wait3A_49 = arith.constant 0 : i32
      %dma_wait3A_50 = tpu.memref_slice %arg4[%dma_wait3A_48, %dma_wait3A_49] : memref<10240x128xf32, #tpu.memory_space<hbm>> -> memref<10240x128xf32, #tpu.memory_space<hbm>>
      tpu.wait_indirect_dma semaphore(%arg9 : memref<!tpu.dma_semaphore, #tpu.memory_space<semaphore_mem>>) src(%dma_wait3A_50 : memref<10240x128xf32, #tpu.memory_space<hbm>>) dst(%dma_wait3A_45 : memref<80x128xf32, #tpu.memory_space<vmem>>)
      %add3A_51 = arith.constant 0 : i32
      %add3A_52 = arith.addi %mul3A_2, %add3A_51 : i32
      %run_scoped3A = arith.constant 0 : i32
      "tpu.region"() ({
        %run_scoped3A_56 = tpu.sem_alloc : memref<!tpu.dma_semaphore, #tpu.memory_space<semaphore_mem>>
        %dma_start3A_57 = arith.constant 0 : i32
        %dma_start3A_58 = arith.constant 0 : i32
        %dma_start3A_59 = tpu.memref_slice %arg7[%dma_start3A_57, %dma_start3A_58] : memref<320x128xf32, #tpu.memory_space<vmem>> -> memref<80x128xf32, #tpu.memory_space<vmem>>
        %dma_start3A_60 = arith.constant 0 : i32
        %dma_start3A_61 = tpu.memref_slice %arg5[%run_scoped3A, %add3A_52, %dma_start3A_60] : memref<2x10000x128xf32, #tpu.memory_space<hbm>> -> memref<1x80x128xf32, #tpu.memory_space<hbm>>
        %dma_start3A_62 = tpu.memref_squeeze %dma_start3A_61 : memref<1x80x128xf32, #tpu.memory_space<hbm>> -> memref<80x128xf32, #tpu.memory_space<hbm>>
        %dma_start3A_63 = arith.constant 0 : i32
        %dma_start3A_64 = tpu.memref_slice %arg5[%run_scoped3A, %add3A_52, %dma_start3A_63] : memref<2x10000x128xf32, #tpu.memory_space<hbm>> -> memref<1x80x128xf32, #tpu.memory_space<hbm>>
        %dma_start3A_65 = tpu.memref_squeeze %dma_start3A_64 : memref<1x80x128xf32, #tpu.memory_space<hbm>> -> memref<80x128xf32, #tpu.memory_space<hbm>>
        %dma_start3A_66 = arith.constant 0 : i32
        %dma_start3A_67 = arith.constant 0 : i32
        %dma_start3A_68 = tpu.memref_slice %arg7[%dma_start3A_66, %dma_start3A_67] : memref<320x128xf32, #tpu.memory_space<vmem>> -> memref<80x128xf32, #tpu.memory_space<vmem>>
        tpu.enqueue_dma source(%dma_start3A_68 : memref<80x128xf32, #tpu.memory_space<vmem>>) target(%dma_start3A_65 : memref<80x128xf32, #tpu.memory_space<hbm>>) target_semaphore(%run_scoped3A_56 : memref<!tpu.dma_semaphore, #tpu.memory_space<semaphore_mem>>)
        %dma_wait3A_69 = arith.constant 0 : i32
        %dma_wait3A_70 = arith.constant 0 : i32
        %dma_wait3A_71 = tpu.memref_slice %arg7[%dma_wait3A_69, %dma_wait3A_70] : memref<320x128xf32, #tpu.memory_space<vmem>> -> memref<80x128xf32, #tpu.memory_space<vmem>>
        %dma_wait3A_72 = arith.constant 0 : i32
        %dma_wait3A_73 = tpu.memref_slice %arg5[%run_scoped3A, %add3A_52, %dma_wait3A_72] : memref<2x10000x128xf32, #tpu.memory_space<hbm>> -> memref<1x80x128xf32, #tpu.memory_space<hbm>>
        %dma_wait3A_74 = tpu.memref_squeeze %dma_wait3A_73 : memref<1x80x128xf32, #tpu.memory_space<hbm>> -> memref<80x128xf32, #tpu.memory_space<hbm>>
        %dma_wait3A_75 = arith.constant 0 : i32
        %dma_wait3A_76 = tpu.memref_slice %arg5[%run_scoped3A, %add3A_52, %dma_wait3A_75] : memref<2x10000x128xf32, #tpu.memory_space<hbm>> -> memref<1x80x128xf32, #tpu.memory_space<hbm>>
        %dma_wait3A_77 = tpu.memref_squeeze %dma_wait3A_76 : memref<1x80x128xf32, #tpu.memory_space<hbm>> -> memref<80x128xf32, #tpu.memory_space<hbm>>
        %dma_wait3A_78 = arith.constant 0 : i32
        %dma_wait3A_79 = arith.constant 0 : i32
        %dma_wait3A_80 = tpu.memref_slice %arg7[%dma_wait3A_78, %dma_wait3A_79] : memref<320x128xf32, #tpu.memory_space<vmem>> -> memref<80x128xf32, #tpu.memory_space<vmem>>
        tpu.wait_dma2 semaphore(%run_scoped3A_56 : memref<!tpu.dma_semaphore, #tpu.memory_space<semaphore_mem>>) src(%dma_wait3A_80 : memref<80x128xf32, #tpu.memory_space<vmem>>) dst(%dma_wait3A_77 : memref<80x128xf32, #tpu.memory_space<hbm>>)
        tpu.yield
      }) : () -> ()
      %add3A_53 = arith.constant 0 : i32
      %add3A_54 = arith.addi %mul3A_2, %add3A_53 : i32
      %run_scoped3A_55 = arith.constant 1 : i32
      "tpu.region"() ({
        %run_scoped3A_56 = tpu.sem_alloc : memref<!tpu.dma_semaphore, #tpu.memory_space<semaphore_mem>>
        %dma_start3A_57 = arith.constant 0 : i32
        %dma_start3A_58 = arith.constant 0 : i32
        %dma_start3A_59 = tpu.memref_slice %arg8[%dma_start3A_57, %dma_start3A_58] : memref<320x128xf32, #tpu.memory_space<vmem>> -> memref<80x128xf32, #tpu.memory_space<vmem>>
        %dma_start3A_60 = arith.constant 0 : i32
        %dma_start3A_61 = tpu.memref_slice %arg5[%run_scoped3A_55, %add3A_54, %dma_start3A_60] : memref<2x10000x128xf32, #tpu.memory_space<hbm>> -> memref<1x80x128xf32, #tpu.memory_space<hbm>>
        %dma_start3A_62 = tpu.memref_squeeze %dma_start3A_61 : memref<1x80x128xf32, #tpu.memory_space<hbm>> -> memref<80x128xf32, #tpu.memory_space<hbm>>
        %dma_start3A_63 = arith.constant 0 : i32
        %dma_start3A_64 = tpu.memref_slice %arg5[%run_scoped3A_55, %add3A_54, %dma_start3A_63] : memref<2x10000x128xf32, #tpu.memory_space<hbm>> -> memref<1x80x128xf32, #tpu.memory_space<hbm>>
        %dma_start3A_65 = tpu.memref_squeeze %dma_start3A_64 : memref<1x80x128xf32, #tpu.memory_space<hbm>> -> memref<80x128xf32, #tpu.memory_space<hbm>>
        %dma_start3A_66 = arith.constant 0 : i32
        %dma_start3A_67 = arith.constant 0 : i32
        %dma_start3A_68 = tpu.memref_slice %arg8[%dma_start3A_66, %dma_start3A_67] : memref<320x128xf32, #tpu.memory_space<vmem>> -> memref<80x128xf32, #tpu.memory_space<vmem>>
        tpu.enqueue_dma source(%dma_start3A_68 : memref<80x128xf32, #tpu.memory_space<vmem>>) target(%dma_start3A_65 : memref<80x128xf32, #tpu.memory_space<hbm>>) target_semaphore(%run_scoped3A_56 : memref<!tpu.dma_semaphore, #tpu.memory_space<semaphore_mem>>)
        %dma_wait3A_69 = arith.constant 0 : i32
        %dma_wait3A_70 = arith.constant 0 : i32
        %dma_wait3A_71 = tpu.memref_slice %arg8[%dma_wait3A_69, %dma_wait3A_70] : memref<320x128xf32, #tpu.memory_space<vmem>> -> memref<80x128xf32, #tpu.memory_space<vmem>>
        %dma_wait3A_72 = arith.constant 0 : i32
        %dma_wait3A_73 = tpu.memref_slice %arg5[%run_scoped3A_55, %add3A_54, %dma_wait3A_72] : memref<2x10000x128xf32, #tpu.memory_space<hbm>> -> memref<1x80x128xf32, #tpu.memory_space<hbm>>
        %dma_wait3A_74 = tpu.memref_squeeze %dma_wait3A_73 : memref<1x80x128xf32, #tpu.memory_space<hbm>> -> memref<80x128xf32, #tpu.memory_space<hbm>>
        %dma_wait3A_75 = arith.constant 0 : i32
        %dma_wait3A_76 = tpu.memref_slice %arg5[%run_scoped3A_55, %add3A_54, %dma_wait3A_75] : memref<2x10000x128xf32, #tpu.memory_space<hbm>> -> memref<1x80x128xf32, #tpu.memory_space<hbm>>
        %dma_wait3A_77 = tpu.memref_squeeze %dma_wait3A_76 : memref<1x80x128xf32, #tpu.memory_space<hbm>> -> memref<80x128xf32, #tpu.memory_space<hbm>>
        %dma_wait3A_78 = arith.constant 0 : i32
        %dma_wait3A_79 = arith.constant 0 : i32
        %dma_wait3A_80 = tpu.memref_slice %arg8[%dma_wait3A_78, %dma_wait3A_79] : memref<320x128xf32, #tpu.memory_space<vmem>> -> memref<80x128xf32, #tpu.memory_space<vmem>>
        tpu.wait_dma2 semaphore(%run_scoped3A_56 : memref<!tpu.dma_semaphore, #tpu.memory_space<semaphore_mem>>) src(%dma_wait3A_80 : memref<80x128xf32, #tpu.memory_space<vmem>>) dst(%dma_wait3A_77 : memref<80x128xf32, #tpu.memory_space<hbm>>)
        tpu.yield
      }) : () -> ()
    } else {
    }
    %add3A_7 = arith.constant 80 : i32
    %add3A_8 = arith.addi %mul3A_2, %add3A_7 : i32
    %lt3A_9 = arith.constant 10000 : i32
    %lt3A_10 = arith.cmpi slt, %add3A_8, %lt3A_9 : i32
    %convert_element_type3A_11 = arith.extui %lt3A_10 : i1 to i32
    %cond3A_12 = arith.constant 0 : i32
    %cond3A_13 = arith.cmpi ne, %convert_element_type3A_11, %cond3A_12 : i32
    scf.if %cond3A_13 {
      %dma_start3A = arith.constant 80 : i32
      %dma_start3A_21 = arith.constant 0 : i32
      %dma_start3A_22 = tpu.memref_slice %arg7[%dma_start3A, %dma_start3A_21] : memref<320x128xf32, #tpu.memory_space<vmem>> -> memref<120x128xf32, #tpu.memory_space<vmem>>
      %dma_start3A_23 = arith.constant 80 : i32
      %dma_start3A_24 = tpu.memref_slice %arg6[%dma_start3A_23] : memref<320xi32, #tpu.memory_space<vmem>> -> memref<120xi32, #tpu.memory_space<vmem>>
      %dma_start3A_25 = arith.constant 0 : i32
      %dma_start3A_26 = arith.constant 0 : i32
      %dma_start3A_27 = tpu.memref_slice %arg3[%dma_start3A_25, %dma_start3A_26] : memref<10240x128xf32, #tpu.memory_space<hbm>> -> memref<10240x128xf32, #tpu.memory_space<hbm>>
      tpu.enqueue_indirect_dma source(%dma_start3A_27 : memref<10240x128xf32, #tpu.memory_space<hbm>>) target(%dma_start3A_22 : memref<120x128xf32, #tpu.memory_space<vmem>>) offsets(%dma_start3A_24 : memref<120xi32, #tpu.memory_space<vmem>>) semaphore(%arg9 : memref<!tpu.dma_semaphore, #tpu.memory_space<semaphore_mem>>)
      %dma_start3A_28 = arith.constant 80 : i32
      %dma_start3A_29 = arith.constant 0 : i32
      %dma_start3A_30 = tpu.memref_slice %arg8[%dma_start3A_28, %dma_start3A_29] : memref<320x128xf32, #tpu.memory_space<vmem>> -> memref<120x128xf32, #tpu.memory_space<vmem>>
      %dma_start3A_31 = arith.constant 80 : i32
      %dma_start3A_32 = tpu.memref_slice %arg6[%dma_start3A_31] : memref<320xi32, #tpu.memory_space<vmem>> -> memref<120xi32, #tpu.memory_space<vmem>>
      %dma_start3A_33 = arith.constant 0 : i32
      %dma_start3A_34 = arith.constant 0 : i32
      %dma_start3A_35 = tpu.memref_slice %arg4[%dma_start3A_33, %dma_start3A_34] : memref<10240x128xf32, #tpu.memory_space<hbm>> -> memref<10240x128xf32, #tpu.memory_space<hbm>>
      tpu.enqueue_indirect_dma source(%dma_start3A_35 : memref<10240x128xf32, #tpu.memory_space<hbm>>) target(%dma_start3A_30 : memref<120x128xf32, #tpu.memory_space<vmem>>) offsets(%dma_start3A_32 : memref<120xi32, #tpu.memory_space<vmem>>) semaphore(%arg9 : memref<!tpu.dma_semaphore, #tpu.memory_space<semaphore_mem>>)
      %dma_wait3A = arith.constant 80 : i32
      %dma_wait3A_36 = arith.constant 0 : i32
      %dma_wait3A_37 = tpu.memref_slice %arg7[%dma_wait3A, %dma_wait3A_36] : memref<320x128xf32, #tpu.memory_space<vmem>> -> memref<120x128xf32, #tpu.memory_space<vmem>>
      %dma_wait3A_38 = arith.constant 80 : i32
      %dma_wait3A_39 = tpu.memref_slice %arg6[%dma_wait3A_38] : memref<320xi32, #tpu.memory_space<vmem>> -> memref<120xi32, #tpu.memory_space<vmem>>
      %dma_wait3A_40 = arith.constant 0 : i32
      %dma_wait3A_41 = arith.constant 0 : i32
      %dma_wait3A_42 = tpu.memref_slice %arg3[%dma_wait3A_40, %dma_wait3A_41] : memref<10240x128xf32, #tpu.memory_space<hbm>> -> memref<10240x128xf32, #tpu.memory_space<hbm>>
      tpu.wait_indirect_dma semaphore(%arg9 : memref<!tpu.dma_semaphore, #tpu.memory_space<semaphore_mem>>) src(%dma_wait3A_42 : memref<10240x128xf32, #tpu.memory_space<hbm>>) dst(%dma_wait3A_37 : memref<120x128xf32, #tpu.memory_space<vmem>>)
      %dma_wait3A_43 = arith.constant 80 : i32
      %dma_wait3A_44 = arith.constant 0 : i32
      %dma_wait3A_45 = tpu.memref_slice %arg8[%dma_wait3A_43, %dma_wait3A_44] : memref<320x128xf32, #tpu.memory_space<vmem>> -> memref<120x128xf32, #tpu.memory_space<vmem>>
      %dma_wait3A_46 = arith.constant 80 : i32
      %dma_wait3A_47 = tpu.memref_slice %arg6[%dma_wait3A_46] : memref<320xi32, #tpu.memory_space<vmem>> -> memref<120xi32, #tpu.memory_space<vmem>>
      %dma_wait3A_48 = arith.constant 0 : i32
      %dma_wait3A_49 = arith.constant 0 : i32
      %dma_wait3A_50 = tpu.memref_slice %arg4[%dma_wait3A_48, %dma_wait3A_49] : memref<10240x128xf32, #tpu.memory_space<hbm>> -> memref<10240x128xf32, #tpu.memory_space<hbm>>
      tpu.wait_indirect_dma semaphore(%arg9 : memref<!tpu.dma_semaphore, #tpu.memory_space<semaphore_mem>>) src(%dma_wait3A_50 : memref<10240x128xf32, #tpu.memory_space<hbm>>) dst(%dma_wait3A_45 : memref<120x128xf32, #tpu.memory_space<vmem>>)
      %add3A_51 = arith.constant 80 : i32
      %add3A_52 = arith.addi %mul3A_2, %add3A_51 : i32
      %run_scoped3A = arith.constant 0 : i32
      "tpu.region"() ({
        %run_scoped3A_56 = tpu.sem_alloc : memref<!tpu.dma_semaphore, #tpu.memory_space<semaphore_mem>>
        %dma_start3A_57 = arith.constant 80 : i32
        %dma_start3A_58 = arith.constant 0 : i32
        %dma_start3A_59 = tpu.memref_slice %arg7[%dma_start3A_57, %dma_start3A_58] : memref<320x128xf32, #tpu.memory_space<vmem>> -> memref<120x128xf32, #tpu.memory_space<vmem>>
        %dma_start3A_60 = arith.constant 0 : i32
        %dma_start3A_61 = tpu.memref_slice %arg5[%run_scoped3A, %add3A_52, %dma_start3A_60] : memref<2x10000x128xf32, #tpu.memory_space<hbm>> -> memref<1x120x128xf32, #tpu.memory_space<hbm>>
        %dma_start3A_62 = tpu.memref_squeeze %dma_start3A_61 : memref<1x120x128xf32, #tpu.memory_space<hbm>> -> memref<120x128xf32, #tpu.memory_space<hbm>>
        %dma_start3A_63 = arith.constant 0 : i32
        %dma_start3A_64 = tpu.memref_slice %arg5[%run_scoped3A, %add3A_52, %dma_start3A_63] : memref<2x10000x128xf32, #tpu.memory_space<hbm>> -> memref<1x120x128xf32, #tpu.memory_space<hbm>>
        %dma_start3A_65 = tpu.memref_squeeze %dma_start3A_64 : memref<1x120x128xf32, #tpu.memory_space<hbm>> -> memref<120x128xf32, #tpu.memory_space<hbm>>
        %dma_start3A_66 = arith.constant 80 : i32
        %dma_start3A_67 = arith.constant 0 : i32
        %dma_start3A_68 = tpu.memref_slice %arg7[%dma_start3A_66, %dma_start3A_67] : memref<320x128xf32, #tpu.memory_space<vmem>> -> memref<120x128xf32, #tpu.memory_space<vmem>>
        tpu.enqueue_dma source(%dma_start3A_68 : memref<120x128xf32, #tpu.memory_space<vmem>>) target(%dma_start3A_65 : memref<120x128xf32, #tpu.memory_space<hbm>>) target_semaphore(%run_scoped3A_56 : memref<!tpu.dma_semaphore, #tpu.memory_space<semaphore_mem>>)
        %dma_wait3A_69 = arith.constant 80 : i32
        %dma_wait3A_70 = arith.constant 0 : i32
        %dma_wait3A_71 = tpu.memref_slice %arg7[%dma_wait3A_69, %dma_wait3A_70] : memref<320x128xf32, #tpu.memory_space<vmem>> -> memref<120x128xf32, #tpu.memory_space<vmem>>
        %dma_wait3A_72 = arith.constant 0 : i32
        %dma_wait3A_73 = tpu.memref_slice %arg5[%run_scoped3A, %add3A_52, %dma_wait3A_72] : memref<2x10000x128xf32, #tpu.memory_space<hbm>> -> memref<1x120x128xf32, #tpu.memory_space<hbm>>
        %dma_wait3A_74 = tpu.memref_squeeze %dma_wait3A_73 : memref<1x120x128xf32, #tpu.memory_space<hbm>> -> memref<120x128xf32, #tpu.memory_space<hbm>>
        %dma_wait3A_75 = arith.constant 0 : i32
        %dma_wait3A_76 = tpu.memref_slice %arg5[%run_scoped3A, %add3A_52, %dma_wait3A_75] : memref<2x10000x128xf32, #tpu.memory_space<hbm>> -> memref<1x120x128xf32, #tpu.memory_space<hbm>>
        %dma_wait3A_77 = tpu.memref_squeeze %dma_wait3A_76 : memref<1x120x128xf32, #tpu.memory_space<hbm>> -> memref<120x128xf32, #tpu.memory_space<hbm>>
        %dma_wait3A_78 = arith.constant 80 : i32
        %dma_wait3A_79 = arith.constant 0 : i32
        %dma_wait3A_80 = tpu.memref_slice %arg7[%dma_wait3A_78, %dma_wait3A_79] : memref<320x128xf32, #tpu.memory_space<vmem>> -> memref<120x128xf32, #tpu.memory_space<vmem>>
        tpu.wait_dma2 semaphore(%run_scoped3A_56 : memref<!tpu.dma_semaphore, #tpu.memory_space<semaphore_mem>>) src(%dma_wait3A_80 : memref<120x128xf32, #tpu.memory_space<vmem>>) dst(%dma_wait3A_77 : memref<120x128xf32, #tpu.memory_space<hbm>>)
        tpu.yield
      }) : () -> ()
      %add3A_53 = arith.constant 80 : i32
      %add3A_54 = arith.addi %mul3A_2, %add3A_53 : i32
      %run_scoped3A_55 = arith.constant 1 : i32
      "tpu.region"() ({
        %run_scoped3A_56 = tpu.sem_alloc : memref<!tpu.dma_semaphore, #tpu.memory_space<semaphore_mem>>
        %dma_start3A_57 = arith.constant 80 : i32
        %dma_start3A_58 = arith.constant 0 : i32
        %dma_start3A_59 = tpu.memref_slice %arg8[%dma_start3A_57, %dma_start3A_58] : memref<320x128xf32, #tpu.memory_space<vmem>> -> memref<120x128xf32, #tpu.memory_space<vmem>>
        %dma_start3A_60 = arith.constant 0 : i32
        %dma_start3A_61 = tpu.memref_slice %arg5[%run_scoped3A_55, %add3A_54, %dma_start3A_60] : memref<2x10000x128xf32, #tpu.memory_space<hbm>> -> memref<1x120x128xf32, #tpu.memory_space<hbm>>
        %dma_start3A_62 = tpu.memref_squeeze %dma_start3A_61 : memref<1x120x128xf32, #tpu.memory_space<hbm>> -> memref<120x128xf32, #tpu.memory_space<hbm>>
        %dma_start3A_63 = arith.constant 0 : i32
        %dma_start3A_64 = tpu.memref_slice %arg5[%run_scoped3A_55, %add3A_54, %dma_start3A_63] : memref<2x10000x128xf32, #tpu.memory_space<hbm>> -> memref<1x120x128xf32, #tpu.memory_space<hbm>>
        %dma_start3A_65 = tpu.memref_squeeze %dma_start3A_64 : memref<1x120x128xf32, #tpu.memory_space<hbm>> -> memref<120x128xf32, #tpu.memory_space<hbm>>
        %dma_start3A_66 = arith.constant 80 : i32
        %dma_start3A_67 = arith.constant 0 : i32
        %dma_start3A_68 = tpu.memref_slice %arg8[%dma_start3A_66, %dma_start3A_67] : memref<320x128xf32, #tpu.memory_space<vmem>> -> memref<120x128xf32, #tpu.memory_space<vmem>>
        tpu.enqueue_dma source(%dma_start3A_68 : memref<120x128xf32, #tpu.memory_space<vmem>>) target(%dma_start3A_65 : memref<120x128xf32, #tpu.memory_space<hbm>>) target_semaphore(%run_scoped3A_56 : memref<!tpu.dma_semaphore, #tpu.memory_space<semaphore_mem>>)
        %dma_wait3A_69 = arith.constant 80 : i32
        %dma_wait3A_70 = arith.constant 0 : i32
        %dma_wait3A_71 = tpu.memref_slice %arg8[%dma_wait3A_69, %dma_wait3A_70] : memref<320x128xf32, #tpu.memory_space<vmem>> -> memref<120x128xf32, #tpu.memory_space<vmem>>
        %dma_wait3A_72 = arith.constant 0 : i32
        %dma_wait3A_73 = tpu.memref_slice %arg5[%run_scoped3A_55, %add3A_54, %dma_wait3A_72] : memref<2x10000x128xf32, #tpu.memory_space<hbm>> -> memref<1x120x128xf32, #tpu.memory_space<hbm>>
        %dma_wait3A_74 = tpu.memref_squeeze %dma_wait3A_73 : memref<1x120x128xf32, #tpu.memory_space<hbm>> -> memref<120x128xf32, #tpu.memory_space<hbm>>
        %dma_wait3A_75 = arith.constant 0 : i32
        %dma_wait3A_76 = tpu.memref_slice %arg5[%run_scoped3A_55, %add3A_54, %dma_wait3A_75] : memref<2x10000x128xf32, #tpu.memory_space<hbm>> -> memref<1x120x128xf32, #tpu.memory_space<hbm>>
        %dma_wait3A_77 = tpu.memref_squeeze %dma_wait3A_76 : memref<1x120x128xf32, #tpu.memory_space<hbm>> -> memref<120x128xf32, #tpu.memory_space<hbm>>
        %dma_wait3A_78 = arith.constant 80 : i32
        %dma_wait3A_79 = arith.constant 0 : i32
        %dma_wait3A_80 = tpu.memref_slice %arg8[%dma_wait3A_78, %dma_wait3A_79] : memref<320x128xf32, #tpu.memory_space<vmem>> -> memref<120x128xf32, #tpu.memory_space<vmem>>
        tpu.wait_dma2 semaphore(%run_scoped3A_56 : memref<!tpu.dma_semaphore, #tpu.memory_space<semaphore_mem>>) src(%dma_wait3A_80 : memref<120x128xf32, #tpu.memory_space<vmem>>) dst(%dma_wait3A_77 : memref<120x128xf32, #tpu.memory_space<hbm>>)
        tpu.yield
      }) : () -> ()
    } else {
    }
    %add3A_14 = arith.constant 200 : i32
    %add3A_15 = arith.addi %mul3A_2, %add3A_14 : i32
    %lt3A_16 = arith.constant 10000 : i32
    %lt3A_17 = arith.cmpi slt, %add3A_15, %lt3A_16 : i32
    %convert_element_type3A_18 = arith.extui %lt3A_17 : i1 to i32
    %cond3A_19 = arith.constant 0 : i32
    %cond3A_20 = arith.cmpi ne, %convert_element_type3A_18, %cond3A_19 : i32
    scf.if %cond3A_20 {
      %dma_start3A = arith.constant 200 : i32
      %dma_start3A_21 = arith.constant 0 : i32
      %dma_start3A_22 = tpu.memref_slice %arg7[%dma_start3A, %dma_start3A_21] : memref<320x128xf32, #tpu.memory_space<vmem>> -> memref<120x128xf32, #tpu.memory_space<vmem>>
      %dma_start3A_23 = arith.constant 200 : i32
      %dma_start3A_24 = tpu.memref_slice %arg6[%dma_start3A_23] : memref<320xi32, #tpu.memory_space<vmem>> -> memref<120xi32, #tpu.memory_space<vmem>>
      %dma_start3A_25 = arith.constant 0 : i32
      %dma_start3A_26 = arith.constant 0 : i32
      %dma_start3A_27 = tpu.memref_slice %arg3[%dma_start3A_25, %dma_start3A_26] : memref<10240x128xf32, #tpu.memory_space<hbm>> -> memref<10240x128xf32, #tpu.memory_space<hbm>>
      tpu.enqueue_indirect_dma source(%dma_start3A_27 : memref<10240x128xf32, #tpu.memory_space<hbm>>) target(%dma_start3A_22 : memref<120x128xf32, #tpu.memory_space<vmem>>) offsets(%dma_start3A_24 : memref<120xi32, #tpu.memory_space<vmem>>) semaphore(%arg9 : memref<!tpu.dma_semaphore, #tpu.memory_space<semaphore_mem>>)
      %dma_start3A_28 = arith.constant 200 : i32
      %dma_start3A_29 = arith.constant 0 : i32
      %dma_start3A_30 = tpu.memref_slice %arg8[%dma_start3A_28, %dma_start3A_29] : memref<320x128xf32, #tpu.memory_space<vmem>> -> memref<120x128xf32, #tpu.memory_space<vmem>>
      %dma_start3A_31 = arith.constant 200 : i32
      %dma_start3A_32 = tpu.memref_slice %arg6[%dma_start3A_31] : memref<320xi32, #tpu.memory_space<vmem>> -> memref<120xi32, #tpu.memory_space<vmem>>
      %dma_start3A_33 = arith.constant 0 : i32
      %dma_start3A_34 = arith.constant 0 : i32
      %dma_start3A_35 = tpu.memref_slice %arg4[%dma_start3A_33, %dma_start3A_34] : memref<10240x128xf32, #tpu.memory_space<hbm>> -> memref<10240x128xf32, #tpu.memory_space<hbm>>
      tpu.enqueue_indirect_dma source(%dma_start3A_35 : memref<10240x128xf32, #tpu.memory_space<hbm>>) target(%dma_start3A_30 : memref<120x128xf32, #tpu.memory_space<vmem>>) offsets(%dma_start3A_32 : memref<120xi32, #tpu.memory_space<vmem>>) semaphore(%arg9 : memref<!tpu.dma_semaphore, #tpu.memory_space<semaphore_mem>>)
      %dma_wait3A = arith.constant 200 : i32
      %dma_wait3A_36 = arith.constant 0 : i32
      %dma_wait3A_37 = tpu.memref_slice %arg7[%dma_wait3A, %dma_wait3A_36] : memref<320x128xf32, #tpu.memory_space<vmem>> -> memref<120x128xf32, #tpu.memory_space<vmem>>
      %dma_wait3A_38 = arith.constant 200 : i32
      %dma_wait3A_39 = tpu.memref_slice %arg6[%dma_wait3A_38] : memref<320xi32, #tpu.memory_space<vmem>> -> memref<120xi32, #tpu.memory_space<vmem>>
      %dma_wait3A_40 = arith.constant 0 : i32
      %dma_wait3A_41 = arith.constant 0 : i32
      %dma_wait3A_42 = tpu.memref_slice %arg3[%dma_wait3A_40, %dma_wait3A_41] : memref<10240x128xf32, #tpu.memory_space<hbm>> -> memref<10240x128xf32, #tpu.memory_space<hbm>>
      tpu.wait_indirect_dma semaphore(%arg9 : memref<!tpu.dma_semaphore, #tpu.memory_space<semaphore_mem>>) src(%dma_wait3A_42 : memref<10240x128xf32, #tpu.memory_space<hbm>>) dst(%dma_wait3A_37 : memref<120x128xf32, #tpu.memory_space<vmem>>)
      %dma_wait3A_43 = arith.constant 200 : i32
      %dma_wait3A_44 = arith.constant 0 : i32
      %dma_wait3A_45 = tpu.memref_slice %arg8[%dma_wait3A_43, %dma_wait3A_44] : memref<320x128xf32, #tpu.memory_space<vmem>> -> memref<120x128xf32, #tpu.memory_space<vmem>>
      %dma_wait3A_46 = arith.constant 200 : i32
      %dma_wait3A_47 = tpu.memref_slice %arg6[%dma_wait3A_46] : memref<320xi32, #tpu.memory_space<vmem>> -> memref<120xi32, #tpu.memory_space<vmem>>
      %dma_wait3A_48 = arith.constant 0 : i32
      %dma_wait3A_49 = arith.constant 0 : i32
      %dma_wait3A_50 = tpu.memref_slice %arg4[%dma_wait3A_48, %dma_wait3A_49] : memref<10240x128xf32, #tpu.memory_space<hbm>> -> memref<10240x128xf32, #tpu.memory_space<hbm>>
      tpu.wait_indirect_dma semaphore(%arg9 : memref<!tpu.dma_semaphore, #tpu.memory_space<semaphore_mem>>) src(%dma_wait3A_50 : memref<10240x128xf32, #tpu.memory_space<hbm>>) dst(%dma_wait3A_45 : memref<120x128xf32, #tpu.memory_space<vmem>>)
      %add3A_51 = arith.constant 200 : i32
      %add3A_52 = arith.addi %mul3A_2, %add3A_51 : i32
      %run_scoped3A = arith.constant 0 : i32
      "tpu.region"() ({
        %run_scoped3A_56 = tpu.sem_alloc : memref<!tpu.dma_semaphore, #tpu.memory_space<semaphore_mem>>
        %dma_start3A_57 = arith.constant 200 : i32
        %dma_start3A_58 = arith.constant 0 : i32
        %dma_start3A_59 = tpu.memref_slice %arg7[%dma_start3A_57, %dma_start3A_58] : memref<320x128xf32, #tpu.memory_space<vmem>> -> memref<120x128xf32, #tpu.memory_space<vmem>>
        %dma_start3A_60 = arith.constant 0 : i32
        %dma_start3A_61 = tpu.memref_slice %arg5[%run_scoped3A, %add3A_52, %dma_start3A_60] : memref<2x10000x128xf32, #tpu.memory_space<hbm>> -> memref<1x120x128xf32, #tpu.memory_space<hbm>>
        %dma_start3A_62 = tpu.memref_squeeze %dma_start3A_61 : memref<1x120x128xf32, #tpu.memory_space<hbm>> -> memref<120x128xf32, #tpu.memory_space<hbm>>
        %dma_start3A_63 = arith.constant 0 : i32
        %dma_start3A_64 = tpu.memref_slice %arg5[%run_scoped3A, %add3A_52, %dma_start3A_63] : memref<2x10000x128xf32, #tpu.memory_space<hbm>> -> memref<1x120x128xf32, #tpu.memory_space<hbm>>
        %dma_start3A_65 = tpu.memref_squeeze %dma_start3A_64 : memref<1x120x128xf32, #tpu.memory_space<hbm>> -> memref<120x128xf32, #tpu.memory_space<hbm>>
        %dma_start3A_66 = arith.constant 200 : i32
        %dma_start3A_67 = arith.constant 0 : i32
        %dma_start3A_68 = tpu.memref_slice %arg7[%dma_start3A_66, %dma_start3A_67] : memref<320x128xf32, #tpu.memory_space<vmem>> -> memref<120x128xf32, #tpu.memory_space<vmem>>
        tpu.enqueue_dma source(%dma_start3A_68 : memref<120x128xf32, #tpu.memory_space<vmem>>) target(%dma_start3A_65 : memref<120x128xf32, #tpu.memory_space<hbm>>) target_semaphore(%run_scoped3A_56 : memref<!tpu.dma_semaphore, #tpu.memory_space<semaphore_mem>>)
        %dma_wait3A_69 = arith.constant 200 : i32
        %dma_wait3A_70 = arith.constant 0 : i32
        %dma_wait3A_71 = tpu.memref_slice %arg7[%dma_wait3A_69, %dma_wait3A_70] : memref<320x128xf32, #tpu.memory_space<vmem>> -> memref<120x128xf32, #tpu.memory_space<vmem>>
        %dma_wait3A_72 = arith.constant 0 : i32
        %dma_wait3A_73 = tpu.memref_slice %arg5[%run_scoped3A, %add3A_52, %dma_wait3A_72] : memref<2x10000x128xf32, #tpu.memory_space<hbm>> -> memref<1x120x128xf32, #tpu.memory_space<hbm>>
        %dma_wait3A_74 = tpu.memref_squeeze %dma_wait3A_73 : memref<1x120x128xf32, #tpu.memory_space<hbm>> -> memref<120x128xf32, #tpu.memory_space<hbm>>
        %dma_wait3A_75 = arith.constant 0 : i32
        %dma_wait3A_76 = tpu.memref_slice %arg5[%run_scoped3A, %add3A_52, %dma_wait3A_75] : memref<2x10000x128xf32, #tpu.memory_space<hbm>> -> memref<1x120x128xf32, #tpu.memory_space<hbm>>
        %dma_wait3A_77 = tpu.memref_squeeze %dma_wait3A_76 : memref<1x120x128xf32, #tpu.memory_space<hbm>> -> memref<120x128xf32, #tpu.memory_space<hbm>>
        %dma_wait3A_78 = arith.constant 200 : i32
        %dma_wait3A_79 = arith.constant 0 : i32
        %dma_wait3A_80 = tpu.memref_slice %arg7[%dma_wait3A_78, %dma_wait3A_79] : memref<320x128xf32, #tpu.memory_space<vmem>> -> memref<120x128xf32, #tpu.memory_space<vmem>>
        tpu.wait_dma2 semaphore(%run_scoped3A_56 : memref<!tpu.dma_semaphore, #tpu.memory_space<semaphore_mem>>) src(%dma_wait3A_80 : memref<120x128xf32, #tpu.memory_space<vmem>>) dst(%dma_wait3A_77 : memref<120x128xf32, #tpu.memory_space<hbm>>)
        tpu.yield
      }) : () -> ()
      %add3A_53 = arith.constant 200 : i32
      %add3A_54 = arith.addi %mul3A_2, %add3A_53 : i32
      %run_scoped3A_55 = arith.constant 1 : i32
      "tpu.region"() ({
        %run_scoped3A_56 = tpu.sem_alloc : memref<!tpu.dma_semaphore, #tpu.memory_space<semaphore_mem>>
        %dma_start3A_57 = arith.constant 200 : i32
        %dma_start3A_58 = arith.constant 0 : i32
        %dma_start3A_59 = tpu.memref_slice %arg8[%dma_start3A_57, %dma_start3A_58] : memref<320x128xf32, #tpu.memory_space<vmem>> -> memref<120x128xf32, #tpu.memory_space<vmem>>
        %dma_start3A_60 = arith.constant 0 : i32
        %dma_start3A_61 = tpu.memref_slice %arg5[%run_scoped3A_55, %add3A_54, %dma_start3A_60] : memref<2x10000x128xf32, #tpu.memory_space<hbm>> -> memref<1x120x128xf32, #tpu.memory_space<hbm>>
        %dma_start3A_62 = tpu.memref_squeeze %dma_start3A_61 : memref<1x120x128xf32, #tpu.memory_space<hbm>> -> memref<120x128xf32, #tpu.memory_space<hbm>>
        %dma_start3A_63 = arith.constant 0 : i32
        %dma_start3A_64 = tpu.memref_slice %arg5[%run_scoped3A_55, %add3A_54, %dma_start3A_63] : memref<2x10000x128xf32, #tpu.memory_space<hbm>> -> memref<1x120x128xf32, #tpu.memory_space<hbm>>
        %dma_start3A_65 = tpu.memref_squeeze %dma_start3A_64 : memref<1x120x128xf32, #tpu.memory_space<hbm>> -> memref<120x128xf32, #tpu.memory_space<hbm>>
        %dma_start3A_66 = arith.constant 200 : i32
        %dma_start3A_67 = arith.constant 0 : i32
        %dma_start3A_68 = tpu.memref_slice %arg8[%dma_start3A_66, %dma_start3A_67] : memref<320x128xf32, #tpu.memory_space<vmem>> -> memref<120x128xf32, #tpu.memory_space<vmem>>
        tpu.enqueue_dma source(%dma_start3A_68 : memref<120x128xf32, #tpu.memory_space<vmem>>) target(%dma_start3A_65 : memref<120x128xf32, #tpu.memory_space<hbm>>) target_semaphore(%run_scoped3A_56 : memref<!tpu.dma_semaphore, #tpu.memory_space<semaphore_mem>>)
        %dma_wait3A_69 = arith.constant 200 : i32
        %dma_wait3A_70 = arith.constant 0 : i32
        %dma_wait3A_71 = tpu.memref_slice %arg8[%dma_wait3A_69, %dma_wait3A_70] : memref<320x128xf32, #tpu.memory_space<vmem>> -> memref<120x128xf32, #tpu.memory_space<vmem>>
        %dma_wait3A_72 = arith.constant 0 : i32
        %dma_wait3A_73 = tpu.memref_slice %arg5[%run_scoped3A_55, %add3A_54, %dma_wait3A_72] : memref<2x10000x128xf32, #tpu.memory_space<hbm>> -> memref<1x120x128xf32, #tpu.memory_space<hbm>>
        %dma_wait3A_74 = tpu.memref_squeeze %dma_wait3A_73 : memref<1x120x128xf32, #tpu.memory_space<hbm>> -> memref<120x128xf32, #tpu.memory_space<hbm>>
        %dma_wait3A_75 = arith.constant 0 : i32
        %dma_wait3A_76 = tpu.memref_slice %arg5[%run_scoped3A_55, %add3A_54, %dma_wait3A_75] : memref<2x10000x128xf32, #tpu.memory_space<hbm>> -> memref<1x120x128xf32, #tpu.memory_space<hbm>>
        %dma_wait3A_77 = tpu.memref_squeeze %dma_wait3A_76 : memref<1x120x128xf32, #tpu.memory_space<hbm>> -> memref<120x128xf32, #tpu.memory_space<hbm>>
        %dma_wait3A_78 = arith.constant 200 : i32
        %dma_wait3A_79 = arith.constant 0 : i32
        %dma_wait3A_80 = tpu.memref_slice %arg8[%dma_wait3A_78, %dma_wait3A_79] : memref<320x128xf32, #tpu.memory_space<vmem>> -> memref<120x128xf32, #tpu.memory_space<vmem>>
        tpu.wait_dma2 semaphore(%run_scoped3A_56 : memref<!tpu.dma_semaphore, #tpu.memory_space<semaphore_mem>>) src(%dma_wait3A_80 : memref<120x128xf32, #tpu.memory_space<vmem>>) dst(%dma_wait3A_77 : memref<120x128xf32, #tpu.memory_space<hbm>>)
        tpu.yield
      }) : () -> ()
    } else {
    }
    return
  }
}

#map = affine_map<(d0, d1) -> (0)>
module attributes {stable_mosaic.version = 14 : i64} {
  func.func @ids_kernel(%arg0: i32, %arg1: i32, %arg2: memref<10000xi32, #tpu.memory_space<hbm>>, %arg3: memref<10000xi32, #tpu.memory_space<hbm>>, %arg4: memref<10240xi32, #tpu.memory_space<hbm>>, %arg5: memref<10240xi32, #tpu.memory_space<hbm>>, %arg6: memref<320xi32, #tpu.memory_space<vmem>>, %arg7: memref<320xi32, #tpu.memory_space<vmem>>, %arg8: memref<320xi32, #tpu.memory_space<vmem>>, %arg9: memref<!tpu.dma_semaphore, #tpu.memory_space<semaphore_mem>>) attributes {dimension_semantics = [#tpu.dimension_semantics<core_parallel>, #tpu.dimension_semantics<subcore_parallel>], iteration_bounds = array<i64: 2, 16>, scalar_prefetch = 0 : i64, scratch_operands = 4 : i64, tpu.core_type = #tpu.core_type<sc_vector_subcore>, window_params = [{transform_indices = #map}, {transform_indices = #map}, {transform_indices = #map}, {transform_indices = #map}]} {
    %mul3A = arith.constant 2 : i32
    %mul3A_0 = arith.muli %arg1, %mul3A : i32
    %add3A = arith.addi %mul3A_0, %arg0 : i32
    %mul3A_1 = arith.constant 320 : i32
    %mul3A_2 = arith.muli %add3A, %mul3A_1 : i32
    "tpu.region"() ({
      %run_scoped3A = tpu.sem_alloc : memref<!tpu.dma_semaphore, #tpu.memory_space<semaphore_mem>>
      %dma_start3A_351 = tpu.memref_slice %arg4[%mul3A_2] : memref<10240xi32, #tpu.memory_space<hbm>> -> memref<320xi32, #tpu.memory_space<hbm>>
      %dma_start3A_352 = tpu.memref_slice %arg4[%mul3A_2] : memref<10240xi32, #tpu.memory_space<hbm>> -> memref<320xi32, #tpu.memory_space<hbm>>
      tpu.enqueue_dma source(%dma_start3A_352 : memref<320xi32, #tpu.memory_space<hbm>>) target(%arg6 : memref<320xi32, #tpu.memory_space<vmem>>) target_semaphore(%run_scoped3A : memref<!tpu.dma_semaphore, #tpu.memory_space<semaphore_mem>>)
      %dma_wait3A_353 = tpu.memref_slice %arg4[%mul3A_2] : memref<10240xi32, #tpu.memory_space<hbm>> -> memref<320xi32, #tpu.memory_space<hbm>>
      %dma_wait3A_354 = tpu.memref_slice %arg4[%mul3A_2] : memref<10240xi32, #tpu.memory_space<hbm>> -> memref<320xi32, #tpu.memory_space<hbm>>
      tpu.wait_dma2 semaphore(%run_scoped3A : memref<!tpu.dma_semaphore, #tpu.memory_space<semaphore_mem>>) src(%dma_wait3A_354 : memref<320xi32, #tpu.memory_space<hbm>>) dst(%arg6 : memref<320xi32, #tpu.memory_space<vmem>>)
      tpu.yield
    }) : () -> ()
    %dma_start3A = arith.constant 0 : i32
    %dma_start3A_3 = tpu.memref_slice %arg7[%dma_start3A] : memref<320xi32, #tpu.memory_space<vmem>> -> memref<128xi32, #tpu.memory_space<vmem>>
    %dma_start3A_4 = arith.constant 0 : i32
    %dma_start3A_5 = tpu.memref_slice %arg6[%dma_start3A_4] : memref<320xi32, #tpu.memory_space<vmem>> -> memref<128xi32, #tpu.memory_space<vmem>>
    %dma_start3A_6 = arith.constant 0 : i32
    %dma_start3A_7 = tpu.memref_slice %arg2[%dma_start3A_6] : memref<10000xi32, #tpu.memory_space<hbm>> -> memref<10000xi32, #tpu.memory_space<hbm>>
    tpu.enqueue_indirect_dma source(%dma_start3A_7 : memref<10000xi32, #tpu.memory_space<hbm>>) target(%dma_start3A_3 : memref<128xi32, #tpu.memory_space<vmem>>) offsets(%dma_start3A_5 : memref<128xi32, #tpu.memory_space<vmem>>) semaphore(%arg9 : memref<!tpu.dma_semaphore, #tpu.memory_space<semaphore_mem>>)
    %dma_start3A_8 = arith.constant 0 : i32
    %dma_start3A_9 = tpu.memref_slice %arg8[%dma_start3A_8] : memref<320xi32, #tpu.memory_space<vmem>> -> memref<128xi32, #tpu.memory_space<vmem>>
    %dma_start3A_10 = arith.constant 0 : i32
    %dma_start3A_11 = tpu.memref_slice %arg6[%dma_start3A_10] : memref<320xi32, #tpu.memory_space<vmem>> -> memref<128xi32, #tpu.memory_space<vmem>>
    %dma_start3A_12 = arith.constant 0 : i32
    %dma_start3A_13 = tpu.memref_slice %arg3[%dma_start3A_12] : memref<10000xi32, #tpu.memory_space<hbm>> -> memref<10000xi32, #tpu.memory_space<hbm>>
    tpu.enqueue_indirect_dma source(%dma_start3A_13 : memref<10000xi32, #tpu.memory_space<hbm>>) target(%dma_start3A_9 : memref<128xi32, #tpu.memory_space<vmem>>) offsets(%dma_start3A_11 : memref<128xi32, #tpu.memory_space<vmem>>) semaphore(%arg9 : memref<!tpu.dma_semaphore, #tpu.memory_space<semaphore_mem>>)
    %dma_start3A_14 = arith.constant 128 : i32
    %dma_start3A_15 = tpu.memref_slice %arg7[%dma_start3A_14] : memref<320xi32, #tpu.memory_space<vmem>> -> memref<128xi32, #tpu.memory_space<vmem>>
    %dma_start3A_16 = arith.constant 128 : i32
    %dma_start3A_17 = tpu.memref_slice %arg6[%dma_start3A_16] : memref<320xi32, #tpu.memory_space<vmem>> -> memref<128xi32, #tpu.memory_space<vmem>>
    %dma_start3A_18 = arith.constant 0 : i32
    %dma_start3A_19 = tpu.memref_slice %arg2[%dma_start3A_18] : memref<10000xi32, #tpu.memory_space<hbm>> -> memref<10000xi32, #tpu.memory_space<hbm>>
    tpu.enqueue_indirect_dma source(%dma_start3A_19 : memref<10000xi32, #tpu.memory_space<hbm>>) target(%dma_start3A_15 : memref<128xi32, #tpu.memory_space<vmem>>) offsets(%dma_start3A_17 : memref<128xi32, #tpu.memory_space<vmem>>) semaphore(%arg9 : memref<!tpu.dma_semaphore, #tpu.memory_space<semaphore_mem>>)
    %dma_start3A_20 = arith.constant 128 : i32
    %dma_start3A_21 = tpu.memref_slice %arg8[%dma_start3A_20] : memref<320xi32, #tpu.memory_space<vmem>> -> memref<128xi32, #tpu.memory_space<vmem>>
    %dma_start3A_22 = arith.constant 128 : i32
    %dma_start3A_23 = tpu.memref_slice %arg6[%dma_start3A_22] : memref<320xi32, #tpu.memory_space<vmem>> -> memref<128xi32, #tpu.memory_space<vmem>>
    %dma_start3A_24 = arith.constant 0 : i32
    %dma_start3A_25 = tpu.memref_slice %arg3[%dma_start3A_24] : memref<10000xi32, #tpu.memory_space<hbm>> -> memref<10000xi32, #tpu.memory_space<hbm>>
    tpu.enqueue_indirect_dma source(%dma_start3A_25 : memref<10000xi32, #tpu.memory_space<hbm>>) target(%dma_start3A_21 : memref<128xi32, #tpu.memory_space<vmem>>) offsets(%dma_start3A_23 : memref<128xi32, #tpu.memory_space<vmem>>) semaphore(%arg9 : memref<!tpu.dma_semaphore, #tpu.memory_space<semaphore_mem>>)
    %dma_start3A_26 = arith.constant 256 : i32
    %dma_start3A_27 = tpu.memref_slice %arg7[%dma_start3A_26] : memref<320xi32, #tpu.memory_space<vmem>> -> memref<64xi32, #tpu.memory_space<vmem>>
    %dma_start3A_28 = arith.constant 256 : i32
    %dma_start3A_29 = tpu.memref_slice %arg6[%dma_start3A_28] : memref<320xi32, #tpu.memory_space<vmem>> -> memref<64xi32, #tpu.memory_space<vmem>>
    %dma_start3A_30 = arith.constant 0 : i32
    %dma_start3A_31 = tpu.memref_slice %arg2[%dma_start3A_30] : memref<10000xi32, #tpu.memory_space<hbm>> -> memref<10000xi32, #tpu.memory_space<hbm>>
    tpu.enqueue_indirect_dma source(%dma_start3A_31 : memref<10000xi32, #tpu.memory_space<hbm>>) target(%dma_start3A_27 : memref<64xi32, #tpu.memory_space<vmem>>) offsets(%dma_start3A_29 : memref<64xi32, #tpu.memory_space<vmem>>) semaphore(%arg9 : memref<!tpu.dma_semaphore, #tpu.memory_space<semaphore_mem>>)
    %dma_start3A_32 = arith.constant 256 : i32
    %dma_start3A_33 = tpu.memref_slice %arg8[%dma_start3A_32] : memref<320xi32, #tpu.memory_space<vmem>> -> memref<64xi32, #tpu.memory_space<vmem>>
    %dma_start3A_34 = arith.constant 256 : i32
    %dma_start3A_35 = tpu.memref_slice %arg6[%dma_start3A_34] : memref<320xi32, #tpu.memory_space<vmem>> -> memref<64xi32, #tpu.memory_space<vmem>>
    %dma_start3A_36 = arith.constant 0 : i32
    %dma_start3A_37 = tpu.memref_slice %arg3[%dma_start3A_36] : memref<10000xi32, #tpu.memory_space<hbm>> -> memref<10000xi32, #tpu.memory_space<hbm>>
    tpu.enqueue_indirect_dma source(%dma_start3A_37 : memref<10000xi32, #tpu.memory_space<hbm>>) target(%dma_start3A_33 : memref<64xi32, #tpu.memory_space<vmem>>) offsets(%dma_start3A_35 : memref<64xi32, #tpu.memory_space<vmem>>) semaphore(%arg9 : memref<!tpu.dma_semaphore, #tpu.memory_space<semaphore_mem>>)
    %dma_wait3A = arith.constant 0 : i32
    %dma_wait3A_38 = tpu.memref_slice %arg7[%dma_wait3A] : memref<320xi32, #tpu.memory_space<vmem>> -> memref<128xi32, #tpu.memory_space<vmem>>
    %dma_wait3A_39 = arith.constant 0 : i32
    %dma_wait3A_40 = tpu.memref_slice %arg6[%dma_wait3A_39] : memref<320xi32, #tpu.memory_space<vmem>> -> memref<128xi32, #tpu.memory_space<vmem>>
    %dma_wait3A_41 = arith.constant 0 : i32
    %dma_wait3A_42 = tpu.memref_slice %arg2[%dma_wait3A_41] : memref<10000xi32, #tpu.memory_space<hbm>> -> memref<10000xi32, #tpu.memory_space<hbm>>
    tpu.wait_indirect_dma semaphore(%arg9 : memref<!tpu.dma_semaphore, #tpu.memory_space<semaphore_mem>>) src(%dma_wait3A_42 : memref<10000xi32, #tpu.memory_space<hbm>>) dst(%dma_wait3A_38 : memref<128xi32, #tpu.memory_space<vmem>>)
    %dma_wait3A_43 = arith.constant 0 : i32
    %dma_wait3A_44 = tpu.memref_slice %arg8[%dma_wait3A_43] : memref<320xi32, #tpu.memory_space<vmem>> -> memref<128xi32, #tpu.memory_space<vmem>>
    %dma_wait3A_45 = arith.constant 0 : i32
    %dma_wait3A_46 = tpu.memref_slice %arg6[%dma_wait3A_45] : memref<320xi32, #tpu.memory_space<vmem>> -> memref<128xi32, #tpu.memory_space<vmem>>
    %dma_wait3A_47 = arith.constant 0 : i32
    %dma_wait3A_48 = tpu.memref_slice %arg3[%dma_wait3A_47] : memref<10000xi32, #tpu.memory_space<hbm>> -> memref<10000xi32, #tpu.memory_space<hbm>>
    tpu.wait_indirect_dma semaphore(%arg9 : memref<!tpu.dma_semaphore, #tpu.memory_space<semaphore_mem>>) src(%dma_wait3A_48 : memref<10000xi32, #tpu.memory_space<hbm>>) dst(%dma_wait3A_44 : memref<128xi32, #tpu.memory_space<vmem>>)
    %dma_wait3A_49 = arith.constant 128 : i32
    %dma_wait3A_50 = tpu.memref_slice %arg7[%dma_wait3A_49] : memref<320xi32, #tpu.memory_space<vmem>> -> memref<128xi32, #tpu.memory_space<vmem>>
    %dma_wait3A_51 = arith.constant 128 : i32
    %dma_wait3A_52 = tpu.memref_slice %arg6[%dma_wait3A_51] : memref<320xi32, #tpu.memory_space<vmem>> -> memref<128xi32, #tpu.memory_space<vmem>>
    %dma_wait3A_53 = arith.constant 0 : i32
    %dma_wait3A_54 = tpu.memref_slice %arg2[%dma_wait3A_53] : memref<10000xi32, #tpu.memory_space<hbm>> -> memref<10000xi32, #tpu.memory_space<hbm>>
    tpu.wait_indirect_dma semaphore(%arg9 : memref<!tpu.dma_semaphore, #tpu.memory_space<semaphore_mem>>) src(%dma_wait3A_54 : memref<10000xi32, #tpu.memory_space<hbm>>) dst(%dma_wait3A_50 : memref<128xi32, #tpu.memory_space<vmem>>)
    %dma_wait3A_55 = arith.constant 128 : i32
    %dma_wait3A_56 = tpu.memref_slice %arg8[%dma_wait3A_55] : memref<320xi32, #tpu.memory_space<vmem>> -> memref<128xi32, #tpu.memory_space<vmem>>
    %dma_wait3A_57 = arith.constant 128 : i32
    %dma_wait3A_58 = tpu.memref_slice %arg6[%dma_wait3A_57] : memref<320xi32, #tpu.memory_space<vmem>> -> memref<128xi32, #tpu.memory_space<vmem>>
    %dma_wait3A_59 = arith.constant 0 : i32
    %dma_wait3A_60 = tpu.memref_slice %arg3[%dma_wait3A_59] : memref<10000xi32, #tpu.memory_space<hbm>> -> memref<10000xi32, #tpu.memory_space<hbm>>
    tpu.wait_indirect_dma semaphore(%arg9 : memref<!tpu.dma_semaphore, #tpu.memory_space<semaphore_mem>>) src(%dma_wait3A_60 : memref<10000xi32, #tpu.memory_space<hbm>>) dst(%dma_wait3A_56 : memref<128xi32, #tpu.memory_space<vmem>>)
    %dma_wait3A_61 = arith.constant 256 : i32
    %dma_wait3A_62 = tpu.memref_slice %arg7[%dma_wait3A_61] : memref<320xi32, #tpu.memory_space<vmem>> -> memref<64xi32, #tpu.memory_space<vmem>>
    %dma_wait3A_63 = arith.constant 256 : i32
    %dma_wait3A_64 = tpu.memref_slice %arg6[%dma_wait3A_63] : memref<320xi32, #tpu.memory_space<vmem>> -> memref<64xi32, #tpu.memory_space<vmem>>
    %dma_wait3A_65 = arith.constant 0 : i32
    %dma_wait3A_66 = tpu.memref_slice %arg2[%dma_wait3A_65] : memref<10000xi32, #tpu.memory_space<hbm>> -> memref<10000xi32, #tpu.memory_space<hbm>>
    tpu.wait_indirect_dma semaphore(%arg9 : memref<!tpu.dma_semaphore, #tpu.memory_space<semaphore_mem>>) src(%dma_wait3A_66 : memref<10000xi32, #tpu.memory_space<hbm>>) dst(%dma_wait3A_62 : memref<64xi32, #tpu.memory_space<vmem>>)
    %dma_wait3A_67 = arith.constant 256 : i32
    %dma_wait3A_68 = tpu.memref_slice %arg8[%dma_wait3A_67] : memref<320xi32, #tpu.memory_space<vmem>> -> memref<64xi32, #tpu.memory_space<vmem>>
    %dma_wait3A_69 = arith.constant 256 : i32
    %dma_wait3A_70 = tpu.memref_slice %arg6[%dma_wait3A_69] : memref<320xi32, #tpu.memory_space<vmem>> -> memref<64xi32, #tpu.memory_space<vmem>>
    %dma_wait3A_71 = arith.constant 0 : i32
    %dma_wait3A_72 = tpu.memref_slice %arg3[%dma_wait3A_71] : memref<10000xi32, #tpu.memory_space<hbm>> -> memref<10000xi32, #tpu.memory_space<hbm>>
    tpu.wait_indirect_dma semaphore(%arg9 : memref<!tpu.dma_semaphore, #tpu.memory_space<semaphore_mem>>) src(%dma_wait3A_72 : memref<10000xi32, #tpu.memory_space<hbm>>) dst(%dma_wait3A_68 : memref<64xi32, #tpu.memory_space<vmem>>)
    %get3A = arith.constant 0 : index
    %get3A_73 = tpu.vector_load %arg7[%get3A] {strides = array<i32>} : memref<320xi32, #tpu.memory_space<vmem>>, vector<16xi32>,
    %get3A_74 = vector.shape_cast %get3A_73 : vector<16xi32> to vector<16xi32>
    %mul3A_75 = arith.constant 13 : i32
    %mul3A_76 = vector.broadcast %mul3A_75 : i32 to vector<16xi32>
    %mul3A_77 = arith.muli %get3A_74, %mul3A_76 : vector<16xi32>
    %get3A_78 = arith.constant 0 : index
    %get3A_79 = tpu.vector_load %arg8[%get3A_78] {strides = array<i32>} : memref<320xi32, #tpu.memory_space<vmem>>, vector<16xi32>,
    %get3A_80 = vector.shape_cast %get3A_79 : vector<16xi32> to vector<16xi32>
    %add3A_81 = arith.addi %mul3A_77, %get3A_80 : vector<16xi32>
    %swap3A = arith.constant 0 : index
    %swap3A_82 = tpu.vector_load %arg6[%swap3A] {strides = array<i32>} : memref<320xi32, #tpu.memory_space<vmem>>, vector<16xi32>,
    %swap3A_83 = vector.shape_cast %swap3A_82 : vector<16xi32> to vector<16xi32>
    %swap3A_84 = vector.shape_cast %add3A_81 : vector<16xi32> to vector<16xi32>
    tpu.vector_store %arg6[%swap3A], %swap3A_84 {strides = array<i32>} : memref<320xi32, #tpu.memory_space<vmem>>, vector<16xi32>,
    %get3A_85 = arith.constant 16 : index
    %get3A_86 = tpu.vector_load %arg7[%get3A_85] {strides = array<i32>} : memref<320xi32, #tpu.memory_space<vmem>>, vector<16xi32>,
    %get3A_87 = vector.shape_cast %get3A_86 : vector<16xi32> to vector<16xi32>
    %mul3A_88 = arith.constant 13 : i32
    %mul3A_89 = vector.broadcast %mul3A_88 : i32 to vector<16xi32>
    %mul3A_90 = arith.muli %get3A_87, %mul3A_89 : vector<16xi32>
    %get3A_91 = arith.constant 16 : index
    %get3A_92 = tpu.vector_load %arg8[%get3A_91] {strides = array<i32>} : memref<320xi32, #tpu.memory_space<vmem>>, vector<16xi32>,
    %get3A_93 = vector.shape_cast %get3A_92 : vector<16xi32> to vector<16xi32>
    %add3A_94 = arith.addi %mul3A_90, %get3A_93 : vector<16xi32>
    %swap3A_95 = arith.constant 16 : index
    %swap3A_96 = tpu.vector_load %arg6[%swap3A_95] {strides = array<i32>} : memref<320xi32, #tpu.memory_space<vmem>>, vector<16xi32>,
    %swap3A_97 = vector.shape_cast %swap3A_96 : vector<16xi32> to vector<16xi32>
    %swap3A_98 = vector.shape_cast %add3A_94 : vector<16xi32> to vector<16xi32>
    tpu.vector_store %arg6[%swap3A_95], %swap3A_98 {strides = array<i32>} : memref<320xi32, #tpu.memory_space<vmem>>, vector<16xi32>,
    %get3A_99 = arith.constant 32 : index
    %get3A_100 = tpu.vector_load %arg7[%get3A_99] {strides = array<i32>} : memref<320xi32, #tpu.memory_space<vmem>>, vector<16xi32>,
    %get3A_101 = vector.shape_cast %get3A_100 : vector<16xi32> to vector<16xi32>
    %mul3A_102 = arith.constant 13 : i32
    %mul3A_103 = vector.broadcast %mul3A_102 : i32 to vector<16xi32>
    %mul3A_104 = arith.muli %get3A_101, %mul3A_103 : vector<16xi32>
    %get3A_105 = arith.constant 32 : index
    %get3A_106 = tpu.vector_load %arg8[%get3A_105] {strides = array<i32>} : memref<320xi32, #tpu.memory_space<vmem>>, vector<16xi32>,
    %get3A_107 = vector.shape_cast %get3A_106 : vector<16xi32> to vector<16xi32>
    %add3A_108 = arith.addi %mul3A_104, %get3A_107 : vector<16xi32>
    %swap3A_109 = arith.constant 32 : index
    %swap3A_110 = tpu.vector_load %arg6[%swap3A_109] {strides = array<i32>} : memref<320xi32, #tpu.memory_space<vmem>>, vector<16xi32>,
    %swap3A_111 = vector.shape_cast %swap3A_110 : vector<16xi32> to vector<16xi32>
    %swap3A_112 = vector.shape_cast %add3A_108 : vector<16xi32> to vector<16xi32>
    tpu.vector_store %arg6[%swap3A_109], %swap3A_112 {strides = array<i32>} : memref<320xi32, #tpu.memory_space<vmem>>, vector<16xi32>,
    %get3A_113 = arith.constant 48 : index
    %get3A_114 = tpu.vector_load %arg7[%get3A_113] {strides = array<i32>} : memref<320xi32, #tpu.memory_space<vmem>>, vector<16xi32>,
    %get3A_115 = vector.shape_cast %get3A_114 : vector<16xi32> to vector<16xi32>
    %mul3A_116 = arith.constant 13 : i32
    %mul3A_117 = vector.broadcast %mul3A_116 : i32 to vector<16xi32>
    %mul3A_118 = arith.muli %get3A_115, %mul3A_117 : vector<16xi32>
    %get3A_119 = arith.constant 48 : index
    %get3A_120 = tpu.vector_load %arg8[%get3A_119] {strides = array<i32>} : memref<320xi32, #tpu.memory_space<vmem>>, vector<16xi32>,
    %get3A_121 = vector.shape_cast %get3A_120 : vector<16xi32> to vector<16xi32>
    %add3A_122 = arith.addi %mul3A_118, %get3A_121 : vector<16xi32>
    %swap3A_123 = arith.constant 48 : index
    %swap3A_124 = tpu.vector_load %arg6[%swap3A_123] {strides = array<i32>} : memref<320xi32, #tpu.memory_space<vmem>>, vector<16xi32>,
    %swap3A_125 = vector.shape_cast %swap3A_124 : vector<16xi32> to vector<16xi32>
    %swap3A_126 = vector.shape_cast %add3A_122 : vector<16xi32> to vector<16xi32>
    tpu.vector_store %arg6[%swap3A_123], %swap3A_126 {strides = array<i32>} : memref<320xi32, #tpu.memory_space<vmem>>, vector<16xi32>,
    %get3A_127 = arith.constant 64 : index
    %get3A_128 = tpu.vector_load %arg7[%get3A_127] {strides = array<i32>} : memref<320xi32, #tpu.memory_space<vmem>>, vector<16xi32>,
    %get3A_129 = vector.shape_cast %get3A_128 : vector<16xi32> to vector<16xi32>
    %mul3A_130 = arith.constant 13 : i32
    %mul3A_131 = vector.broadcast %mul3A_130 : i32 to vector<16xi32>
    %mul3A_132 = arith.muli %get3A_129, %mul3A_131 : vector<16xi32>
    %get3A_133 = arith.constant 64 : index
    %get3A_134 = tpu.vector_load %arg8[%get3A_133] {strides = array<i32>} : memref<320xi32, #tpu.memory_space<vmem>>, vector<16xi32>,
    %get3A_135 = vector.shape_cast %get3A_134 : vector<16xi32> to vector<16xi32>
    %add3A_136 = arith.addi %mul3A_132, %get3A_135 : vector<16xi32>
    %swap3A_137 = arith.constant 64 : index
    %swap3A_138 = tpu.vector_load %arg6[%swap3A_137] {strides = array<i32>} : memref<320xi32, #tpu.memory_space<vmem>>, vector<16xi32>,
    %swap3A_139 = vector.shape_cast %swap3A_138 : vector<16xi32> to vector<16xi32>
    %swap3A_140 = vector.shape_cast %add3A_136 : vector<16xi32> to vector<16xi32>
    tpu.vector_store %arg6[%swap3A_137], %swap3A_140 {strides = array<i32>} : memref<320xi32, #tpu.memory_space<vmem>>, vector<16xi32>,
    %get3A_141 = arith.constant 80 : index
    %get3A_142 = tpu.vector_load %arg7[%get3A_141] {strides = array<i32>} : memref<320xi32, #tpu.memory_space<vmem>>, vector<16xi32>,
    %get3A_143 = vector.shape_cast %get3A_142 : vector<16xi32> to vector<16xi32>
    %mul3A_144 = arith.constant 13 : i32
    %mul3A_145 = vector.broadcast %mul3A_144 : i32 to vector<16xi32>
    %mul3A_146 = arith.muli %get3A_143, %mul3A_145 : vector<16xi32>
    %get3A_147 = arith.constant 80 : index
    %get3A_148 = tpu.vector_load %arg8[%get3A_147] {strides = array<i32>} : memref<320xi32, #tpu.memory_space<vmem>>, vector<16xi32>,
    %get3A_149 = vector.shape_cast %get3A_148 : vector<16xi32> to vector<16xi32>
    %add3A_150 = arith.addi %mul3A_146, %get3A_149 : vector<16xi32>
    %swap3A_151 = arith.constant 80 : index
    %swap3A_152 = tpu.vector_load %arg6[%swap3A_151] {strides = array<i32>} : memref<320xi32, #tpu.memory_space<vmem>>, vector<16xi32>,
    %swap3A_153 = vector.shape_cast %swap3A_152 : vector<16xi32> to vector<16xi32>
    %swap3A_154 = vector.shape_cast %add3A_150 : vector<16xi32> to vector<16xi32>
    tpu.vector_store %arg6[%swap3A_151], %swap3A_154 {strides = array<i32>} : memref<320xi32, #tpu.memory_space<vmem>>, vector<16xi32>,
    %get3A_155 = arith.constant 96 : index
    %get3A_156 = tpu.vector_load %arg7[%get3A_155] {strides = array<i32>} : memref<320xi32, #tpu.memory_space<vmem>>, vector<16xi32>,
    %get3A_157 = vector.shape_cast %get3A_156 : vector<16xi32> to vector<16xi32>
    %mul3A_158 = arith.constant 13 : i32
    %mul3A_159 = vector.broadcast %mul3A_158 : i32 to vector<16xi32>
    %mul3A_160 = arith.muli %get3A_157, %mul3A_159 : vector<16xi32>
    %get3A_161 = arith.constant 96 : index
    %get3A_162 = tpu.vector_load %arg8[%get3A_161] {strides = array<i32>} : memref<320xi32, #tpu.memory_space<vmem>>, vector<16xi32>,
    %get3A_163 = vector.shape_cast %get3A_162 : vector<16xi32> to vector<16xi32>
    %add3A_164 = arith.addi %mul3A_160, %get3A_163 : vector<16xi32>
    %swap3A_165 = arith.constant 96 : index
    %swap3A_166 = tpu.vector_load %arg6[%swap3A_165] {strides = array<i32>} : memref<320xi32, #tpu.memory_space<vmem>>, vector<16xi32>,
    %swap3A_167 = vector.shape_cast %swap3A_166 : vector<16xi32> to vector<16xi32>
    %swap3A_168 = vector.shape_cast %add3A_164 : vector<16xi32> to vector<16xi32>
    tpu.vector_store %arg6[%swap3A_165], %swap3A_168 {strides = array<i32>} : memref<320xi32, #tpu.memory_space<vmem>>, vector<16xi32>,
    %get3A_169 = arith.constant 112 : index
    %get3A_170 = tpu.vector_load %arg7[%get3A_169] {strides = array<i32>} : memref<320xi32, #tpu.memory_space<vmem>>, vector<16xi32>,
    %get3A_171 = vector.shape_cast %get3A_170 : vector<16xi32> to vector<16xi32>
    %mul3A_172 = arith.constant 13 : i32
    %mul3A_173 = vector.broadcast %mul3A_172 : i32 to vector<16xi32>
    %mul3A_174 = arith.muli %get3A_171, %mul3A_173 : vector<16xi32>
    %get3A_175 = arith.constant 112 : index
    %get3A_176 = tpu.vector_load %arg8[%get3A_175] {strides = array<i32>} : memref<320xi32, #tpu.memory_space<vmem>>, vector<16xi32>,
    %get3A_177 = vector.shape_cast %get3A_176 : vector<16xi32> to vector<16xi32>
    %add3A_178 = arith.addi %mul3A_174, %get3A_177 : vector<16xi32>
    %swap3A_179 = arith.constant 112 : index
    %swap3A_180 = tpu.vector_load %arg6[%swap3A_179] {strides = array<i32>} : memref<320xi32, #tpu.memory_space<vmem>>, vector<16xi32>,
    %swap3A_181 = vector.shape_cast %swap3A_180 : vector<16xi32> to vector<16xi32>
    %swap3A_182 = vector.shape_cast %add3A_178 : vector<16xi32> to vector<16xi32>
    tpu.vector_store %arg6[%swap3A_179], %swap3A_182 {strides = array<i32>} : memref<320xi32, #tpu.memory_space<vmem>>, vector<16xi32>,
    %get3A_183 = arith.constant 128 : index
    %get3A_184 = tpu.vector_load %arg7[%get3A_183] {strides = array<i32>} : memref<320xi32, #tpu.memory_space<vmem>>, vector<16xi32>,
    %get3A_185 = vector.shape_cast %get3A_184 : vector<16xi32> to vector<16xi32>
    %mul3A_186 = arith.constant 13 : i32
    %mul3A_187 = vector.broadcast %mul3A_186 : i32 to vector<16xi32>
    %mul3A_188 = arith.muli %get3A_185, %mul3A_187 : vector<16xi32>
    %get3A_189 = arith.constant 128 : index
    %get3A_190 = tpu.vector_load %arg8[%get3A_189] {strides = array<i32>} : memref<320xi32, #tpu.memory_space<vmem>>, vector<16xi32>,
    %get3A_191 = vector.shape_cast %get3A_190 : vector<16xi32> to vector<16xi32>
    %add3A_192 = arith.addi %mul3A_188, %get3A_191 : vector<16xi32>
    %swap3A_193 = arith.constant 128 : index
    %swap3A_194 = tpu.vector_load %arg6[%swap3A_193] {strides = array<i32>} : memref<320xi32, #tpu.memory_space<vmem>>, vector<16xi32>,
    %swap3A_195 = vector.shape_cast %swap3A_194 : vector<16xi32> to vector<16xi32>
    %swap3A_196 = vector.shape_cast %add3A_192 : vector<16xi32> to vector<16xi32>
    tpu.vector_store %arg6[%swap3A_193], %swap3A_196 {strides = array<i32>} : memref<320xi32, #tpu.memory_space<vmem>>, vector<16xi32>,
    %get3A_197 = arith.constant 144 : index
    %get3A_198 = tpu.vector_load %arg7[%get3A_197] {strides = array<i32>} : memref<320xi32, #tpu.memory_space<vmem>>, vector<16xi32>,
    %get3A_199 = vector.shape_cast %get3A_198 : vector<16xi32> to vector<16xi32>
    %mul3A_200 = arith.constant 13 : i32
    %mul3A_201 = vector.broadcast %mul3A_200 : i32 to vector<16xi32>
    %mul3A_202 = arith.muli %get3A_199, %mul3A_201 : vector<16xi32>
    %get3A_203 = arith.constant 144 : index
    %get3A_204 = tpu.vector_load %arg8[%get3A_203] {strides = array<i32>} : memref<320xi32, #tpu.memory_space<vmem>>, vector<16xi32>,
    %get3A_205 = vector.shape_cast %get3A_204 : vector<16xi32> to vector<16xi32>
    %add3A_206 = arith.addi %mul3A_202, %get3A_205 : vector<16xi32>
    %swap3A_207 = arith.constant 144 : index
    %swap3A_208 = tpu.vector_load %arg6[%swap3A_207] {strides = array<i32>} : memref<320xi32, #tpu.memory_space<vmem>>, vector<16xi32>,
    %swap3A_209 = vector.shape_cast %swap3A_208 : vector<16xi32> to vector<16xi32>
    %swap3A_210 = vector.shape_cast %add3A_206 : vector<16xi32> to vector<16xi32>
    tpu.vector_store %arg6[%swap3A_207], %swap3A_210 {strides = array<i32>} : memref<320xi32, #tpu.memory_space<vmem>>, vector<16xi32>,
    %get3A_211 = arith.constant 160 : index
    %get3A_212 = tpu.vector_load %arg7[%get3A_211] {strides = array<i32>} : memref<320xi32, #tpu.memory_space<vmem>>, vector<16xi32>,
    %get3A_213 = vector.shape_cast %get3A_212 : vector<16xi32> to vector<16xi32>
    %mul3A_214 = arith.constant 13 : i32
    %mul3A_215 = vector.broadcast %mul3A_214 : i32 to vector<16xi32>
    %mul3A_216 = arith.muli %get3A_213, %mul3A_215 : vector<16xi32>
    %get3A_217 = arith.constant 160 : index
    %get3A_218 = tpu.vector_load %arg8[%get3A_217] {strides = array<i32>} : memref<320xi32, #tpu.memory_space<vmem>>, vector<16xi32>,
    %get3A_219 = vector.shape_cast %get3A_218 : vector<16xi32> to vector<16xi32>
    %add3A_220 = arith.addi %mul3A_216, %get3A_219 : vector<16xi32>
    %swap3A_221 = arith.constant 160 : index
    %swap3A_222 = tpu.vector_load %arg6[%swap3A_221] {strides = array<i32>} : memref<320xi32, #tpu.memory_space<vmem>>, vector<16xi32>,
    %swap3A_223 = vector.shape_cast %swap3A_222 : vector<16xi32> to vector<16xi32>
    %swap3A_224 = vector.shape_cast %add3A_220 : vector<16xi32> to vector<16xi32>
    tpu.vector_store %arg6[%swap3A_221], %swap3A_224 {strides = array<i32>} : memref<320xi32, #tpu.memory_space<vmem>>, vector<16xi32>,
    %get3A_225 = arith.constant 176 : index
    %get3A_226 = tpu.vector_load %arg7[%get3A_225] {strides = array<i32>} : memref<320xi32, #tpu.memory_space<vmem>>, vector<16xi32>,
    %get3A_227 = vector.shape_cast %get3A_226 : vector<16xi32> to vector<16xi32>
    %mul3A_228 = arith.constant 13 : i32
    %mul3A_229 = vector.broadcast %mul3A_228 : i32 to vector<16xi32>
    %mul3A_230 = arith.muli %get3A_227, %mul3A_229 : vector<16xi32>
    %get3A_231 = arith.constant 176 : index
    %get3A_232 = tpu.vector_load %arg8[%get3A_231] {strides = array<i32>} : memref<320xi32, #tpu.memory_space<vmem>>, vector<16xi32>,
    %get3A_233 = vector.shape_cast %get3A_232 : vector<16xi32> to vector<16xi32>
    %add3A_234 = arith.addi %mul3A_230, %get3A_233 : vector<16xi32>
    %swap3A_235 = arith.constant 176 : index
    %swap3A_236 = tpu.vector_load %arg6[%swap3A_235] {strides = array<i32>} : memref<320xi32, #tpu.memory_space<vmem>>, vector<16xi32>,
    %swap3A_237 = vector.shape_cast %swap3A_236 : vector<16xi32> to vector<16xi32>
    %swap3A_238 = vector.shape_cast %add3A_234 : vector<16xi32> to vector<16xi32>
    tpu.vector_store %arg6[%swap3A_235], %swap3A_238 {strides = array<i32>} : memref<320xi32, #tpu.memory_space<vmem>>, vector<16xi32>,
    %get3A_239 = arith.constant 192 : index
    %get3A_240 = tpu.vector_load %arg7[%get3A_239] {strides = array<i32>} : memref<320xi32, #tpu.memory_space<vmem>>, vector<16xi32>,
    %get3A_241 = vector.shape_cast %get3A_240 : vector<16xi32> to vector<16xi32>
    %mul3A_242 = arith.constant 13 : i32
    %mul3A_243 = vector.broadcast %mul3A_242 : i32 to vector<16xi32>
    %mul3A_244 = arith.muli %get3A_241, %mul3A_243 : vector<16xi32>
    %get3A_245 = arith.constant 192 : index
    %get3A_246 = tpu.vector_load %arg8[%get3A_245] {strides = array<i32>} : memref<320xi32, #tpu.memory_space<vmem>>, vector<16xi32>,
    %get3A_247 = vector.shape_cast %get3A_246 : vector<16xi32> to vector<16xi32>
    %add3A_248 = arith.addi %mul3A_244, %get3A_247 : vector<16xi32>
    %swap3A_249 = arith.constant 192 : index
    %swap3A_250 = tpu.vector_load %arg6[%swap3A_249] {strides = array<i32>} : memref<320xi32, #tpu.memory_space<vmem>>, vector<16xi32>,
    %swap3A_251 = vector.shape_cast %swap3A_250 : vector<16xi32> to vector<16xi32>
    %swap3A_252 = vector.shape_cast %add3A_248 : vector<16xi32> to vector<16xi32>
    tpu.vector_store %arg6[%swap3A_249], %swap3A_252 {strides = array<i32>} : memref<320xi32, #tpu.memory_space<vmem>>, vector<16xi32>,
    %get3A_253 = arith.constant 208 : index
    %get3A_254 = tpu.vector_load %arg7[%get3A_253] {strides = array<i32>} : memref<320xi32, #tpu.memory_space<vmem>>, vector<16xi32>,
    %get3A_255 = vector.shape_cast %get3A_254 : vector<16xi32> to vector<16xi32>
    %mul3A_256 = arith.constant 13 : i32
    %mul3A_257 = vector.broadcast %mul3A_256 : i32 to vector<16xi32>
    %mul3A_258 = arith.muli %get3A_255, %mul3A_257 : vector<16xi32>
    %get3A_259 = arith.constant 208 : index
    %get3A_260 = tpu.vector_load %arg8[%get3A_259] {strides = array<i32>} : memref<320xi32, #tpu.memory_space<vmem>>, vector<16xi32>,
    %get3A_261 = vector.shape_cast %get3A_260 : vector<16xi32> to vector<16xi32>
    %add3A_262 = arith.addi %mul3A_258, %get3A_261 : vector<16xi32>
    %swap3A_263 = arith.constant 208 : index
    %swap3A_264 = tpu.vector_load %arg6[%swap3A_263] {strides = array<i32>} : memref<320xi32, #tpu.memory_space<vmem>>, vector<16xi32>,
    %swap3A_265 = vector.shape_cast %swap3A_264 : vector<16xi32> to vector<16xi32>
    %swap3A_266 = vector.shape_cast %add3A_262 : vector<16xi32> to vector<16xi32>
    tpu.vector_store %arg6[%swap3A_263], %swap3A_266 {strides = array<i32>} : memref<320xi32, #tpu.memory_space<vmem>>, vector<16xi32>,
    %get3A_267 = arith.constant 224 : index
    %get3A_268 = tpu.vector_load %arg7[%get3A_267] {strides = array<i32>} : memref<320xi32, #tpu.memory_space<vmem>>, vector<16xi32>,
    %get3A_269 = vector.shape_cast %get3A_268 : vector<16xi32> to vector<16xi32>
    %mul3A_270 = arith.constant 13 : i32
    %mul3A_271 = vector.broadcast %mul3A_270 : i32 to vector<16xi32>
    %mul3A_272 = arith.muli %get3A_269, %mul3A_271 : vector<16xi32>
    %get3A_273 = arith.constant 224 : index
    %get3A_274 = tpu.vector_load %arg8[%get3A_273] {strides = array<i32>} : memref<320xi32, #tpu.memory_space<vmem>>, vector<16xi32>,
    %get3A_275 = vector.shape_cast %get3A_274 : vector<16xi32> to vector<16xi32>
    %add3A_276 = arith.addi %mul3A_272, %get3A_275 : vector<16xi32>
    %swap3A_277 = arith.constant 224 : index
    %swap3A_278 = tpu.vector_load %arg6[%swap3A_277] {strides = array<i32>} : memref<320xi32, #tpu.memory_space<vmem>>, vector<16xi32>,
    %swap3A_279 = vector.shape_cast %swap3A_278 : vector<16xi32> to vector<16xi32>
    %swap3A_280 = vector.shape_cast %add3A_276 : vector<16xi32> to vector<16xi32>
    tpu.vector_store %arg6[%swap3A_277], %swap3A_280 {strides = array<i32>} : memref<320xi32, #tpu.memory_space<vmem>>, vector<16xi32>,
    %get3A_281 = arith.constant 240 : index
    %get3A_282 = tpu.vector_load %arg7[%get3A_281] {strides = array<i32>} : memref<320xi32, #tpu.memory_space<vmem>>, vector<16xi32>,
    %get3A_283 = vector.shape_cast %get3A_282 : vector<16xi32> to vector<16xi32>
    %mul3A_284 = arith.constant 13 : i32
    %mul3A_285 = vector.broadcast %mul3A_284 : i32 to vector<16xi32>
    %mul3A_286 = arith.muli %get3A_283, %mul3A_285 : vector<16xi32>
    %get3A_287 = arith.constant 240 : index
    %get3A_288 = tpu.vector_load %arg8[%get3A_287] {strides = array<i32>} : memref<320xi32, #tpu.memory_space<vmem>>, vector<16xi32>,
    %get3A_289 = vector.shape_cast %get3A_288 : vector<16xi32> to vector<16xi32>
    %add3A_290 = arith.addi %mul3A_286, %get3A_289 : vector<16xi32>
    %swap3A_291 = arith.constant 240 : index
    %swap3A_292 = tpu.vector_load %arg6[%swap3A_291] {strides = array<i32>} : memref<320xi32, #tpu.memory_space<vmem>>, vector<16xi32>,
    %swap3A_293 = vector.shape_cast %swap3A_292 : vector<16xi32> to vector<16xi32>
    %swap3A_294 = vector.shape_cast %add3A_290 : vector<16xi32> to vector<16xi32>
    tpu.vector_store %arg6[%swap3A_291], %swap3A_294 {strides = array<i32>} : memref<320xi32, #tpu.memory_space<vmem>>, vector<16xi32>,
    %get3A_295 = arith.constant 256 : index
    %get3A_296 = tpu.vector_load %arg7[%get3A_295] {strides = array<i32>} : memref<320xi32, #tpu.memory_space<vmem>>, vector<16xi32>,
    %get3A_297 = vector.shape_cast %get3A_296 : vector<16xi32> to vector<16xi32>
    %mul3A_298 = arith.constant 13 : i32
    %mul3A_299 = vector.broadcast %mul3A_298 : i32 to vector<16xi32>
    %mul3A_300 = arith.muli %get3A_297, %mul3A_299 : vector<16xi32>
    %get3A_301 = arith.constant 256 : index
    %get3A_302 = tpu.vector_load %arg8[%get3A_301] {strides = array<i32>} : memref<320xi32, #tpu.memory_space<vmem>>, vector<16xi32>,
    %get3A_303 = vector.shape_cast %get3A_302 : vector<16xi32> to vector<16xi32>
    %add3A_304 = arith.addi %mul3A_300, %get3A_303 : vector<16xi32>
    %swap3A_305 = arith.constant 256 : index
    %swap3A_306 = tpu.vector_load %arg6[%swap3A_305] {strides = array<i32>} : memref<320xi32, #tpu.memory_space<vmem>>, vector<16xi32>,
    %swap3A_307 = vector.shape_cast %swap3A_306 : vector<16xi32> to vector<16xi32>
    %swap3A_308 = vector.shape_cast %add3A_304 : vector<16xi32> to vector<16xi32>
    tpu.vector_store %arg6[%swap3A_305], %swap3A_308 {strides = array<i32>} : memref<320xi32, #tpu.memory_space<vmem>>, vector<16xi32>,
    %get3A_309 = arith.constant 272 : index
    %get3A_310 = tpu.vector_load %arg7[%get3A_309] {strides = array<i32>} : memref<320xi32, #tpu.memory_space<vmem>>, vector<16xi32>,
    %get3A_311 = vector.shape_cast %get3A_310 : vector<16xi32> to vector<16xi32>
    %mul3A_312 = arith.constant 13 : i32
    %mul3A_313 = vector.broadcast %mul3A_312 : i32 to vector<16xi32>
    %mul3A_314 = arith.muli %get3A_311, %mul3A_313 : vector<16xi32>
    %get3A_315 = arith.constant 272 : index
    %get3A_316 = tpu.vector_load %arg8[%get3A_315] {strides = array<i32>} : memref<320xi32, #tpu.memory_space<vmem>>, vector<16xi32>,
    %get3A_317 = vector.shape_cast %get3A_316 : vector<16xi32> to vector<16xi32>
    %add3A_318 = arith.addi %mul3A_314, %get3A_317 : vector<16xi32>
    %swap3A_319 = arith.constant 272 : index
    %swap3A_320 = tpu.vector_load %arg6[%swap3A_319] {strides = array<i32>} : memref<320xi32, #tpu.memory_space<vmem>>, vector<16xi32>,
    %swap3A_321 = vector.shape_cast %swap3A_320 : vector<16xi32> to vector<16xi32>
    %swap3A_322 = vector.shape_cast %add3A_318 : vector<16xi32> to vector<16xi32>
    tpu.vector_store %arg6[%swap3A_319], %swap3A_322 {strides = array<i32>} : memref<320xi32, #tpu.memory_space<vmem>>, vector<16xi32>,
    %get3A_323 = arith.constant 288 : index
    %get3A_324 = tpu.vector_load %arg7[%get3A_323] {strides = array<i32>} : memref<320xi32, #tpu.memory_space<vmem>>, vector<16xi32>,
    %get3A_325 = vector.shape_cast %get3A_324 : vector<16xi32> to vector<16xi32>
    %mul3A_326 = arith.constant 13 : i32
    %mul3A_327 = vector.broadcast %mul3A_326 : i32 to vector<16xi32>
    %mul3A_328 = arith.muli %get3A_325, %mul3A_327 : vector<16xi32>
    %get3A_329 = arith.constant 288 : index
    %get3A_330 = tpu.vector_load %arg8[%get3A_329] {strides = array<i32>} : memref<320xi32, #tpu.memory_space<vmem>>, vector<16xi32>,
    %get3A_331 = vector.shape_cast %get3A_330 : vector<16xi32> to vector<16xi32>
    %add3A_332 = arith.addi %mul3A_328, %get3A_331 : vector<16xi32>
    %swap3A_333 = arith.constant 288 : index
    %swap3A_334 = tpu.vector_load %arg6[%swap3A_333] {strides = array<i32>} : memref<320xi32, #tpu.memory_space<vmem>>, vector<16xi32>,
    %swap3A_335 = vector.shape_cast %swap3A_334 : vector<16xi32> to vector<16xi32>
    %swap3A_336 = vector.shape_cast %add3A_332 : vector<16xi32> to vector<16xi32>
    tpu.vector_store %arg6[%swap3A_333], %swap3A_336 {strides = array<i32>} : memref<320xi32, #tpu.memory_space<vmem>>, vector<16xi32>,
    %get3A_337 = arith.constant 304 : index
    %get3A_338 = tpu.vector_load %arg7[%get3A_337] {strides = array<i32>} : memref<320xi32, #tpu.memory_space<vmem>>, vector<16xi32>,
    %get3A_339 = vector.shape_cast %get3A_338 : vector<16xi32> to vector<16xi32>
    %mul3A_340 = arith.constant 13 : i32
    %mul3A_341 = vector.broadcast %mul3A_340 : i32 to vector<16xi32>
    %mul3A_342 = arith.muli %get3A_339, %mul3A_341 : vector<16xi32>
    %get3A_343 = arith.constant 304 : index
    %get3A_344 = tpu.vector_load %arg8[%get3A_343] {strides = array<i32>} : memref<320xi32, #tpu.memory_space<vmem>>, vector<16xi32>,
    %get3A_345 = vector.shape_cast %get3A_344 : vector<16xi32> to vector<16xi32>
    %add3A_346 = arith.addi %mul3A_342, %get3A_345 : vector<16xi32>
    %swap3A_347 = arith.constant 304 : index
    %swap3A_348 = tpu.vector_load %arg6[%swap3A_347] {strides = array<i32>} : memref<320xi32, #tpu.memory_space<vmem>>, vector<16xi32>,
    %swap3A_349 = vector.shape_cast %swap3A_348 : vector<16xi32> to vector<16xi32>
    %swap3A_350 = vector.shape_cast %add3A_346 : vector<16xi32> to vector<16xi32>
    tpu.vector_store %arg6[%swap3A_347], %swap3A_350 {strides = array<i32>} : memref<320xi32, #tpu.memory_space<vmem>>, vector<16xi32>,
    "tpu.region"() ({
      %run_scoped3A = tpu.sem_alloc : memref<!tpu.dma_semaphore, #tpu.memory_space<semaphore_mem>>
      %dma_start3A_351 = tpu.memref_slice %arg5[%mul3A_2] : memref<10240xi32, #tpu.memory_space<hbm>> -> memref<320xi32, #tpu.memory_space<hbm>>
      %dma_start3A_352 = tpu.memref_slice %arg5[%mul3A_2] : memref<10240xi32, #tpu.memory_space<hbm>> -> memref<320xi32, #tpu.memory_space<hbm>>
      tpu.enqueue_dma source(%arg6 : memref<320xi32, #tpu.memory_space<vmem>>) target(%dma_start3A_352 : memref<320xi32, #tpu.memory_space<hbm>>) target_semaphore(%run_scoped3A : memref<!tpu.dma_semaphore, #tpu.memory_space<semaphore_mem>>)
      %dma_wait3A_353 = tpu.memref_slice %arg5[%mul3A_2] : memref<10240xi32, #tpu.memory_space<hbm>> -> memref<320xi32, #tpu.memory_space<hbm>>
      %dma_wait3A_354 = tpu.memref_slice %arg5[%mul3A_2] : memref<10240xi32, #tpu.memory_space<hbm>> -> memref<320xi32, #tpu.memory_space<hbm>>
      tpu.wait_dma2 semaphore(%run_scoped3A : memref<!tpu.dma_semaphore, #tpu.memory_space<semaphore_mem>>) src(%arg6 : memref<320xi32, #tpu.memory_space<vmem>>) dst(%dma_wait3A_354 : memref<320xi32, #tpu.memory_space<hbm>>)
      tpu.yield
    }) : () -> ()
    return
  }
}

#map = affine_map<(d0, d1) -> (0)>
#map1 = affine_map<(d0, d1) -> (0, 0)>
module attributes {stable_mosaic.version = 14 : i64} {
  func.func @gather_kernel(%arg0: i32, %arg1: i32, %arg2: memref<10240xi32, #tpu.memory_space<hbm>>, %arg3: memref<10240xi32, #tpu.memory_space<hbm>>, %arg4: memref<10240xi32, #tpu.memory_space<hbm>>, %arg5: memref<10000x128xf32, #tpu.memory_space<hbm>>, %arg6: memref<10240x128xf32, #tpu.memory_space<hbm>>, %arg7: memref<10240x128xf32, #tpu.memory_space<hbm>>, %arg8: memref<320xi32, #tpu.memory_space<vmem>>, %arg9: memref<320xi32, #tpu.memory_space<vmem>>, %arg10: memref<320xi32, #tpu.memory_space<vmem>>, %arg11: memref<320x128xf32, #tpu.memory_space<vmem>>, %arg12: memref<320x128xf32, #tpu.memory_space<vmem>>, %arg13: memref<!tpu.dma_semaphore, #tpu.memory_space<semaphore_mem>>) attributes {dimension_semantics = [#tpu.dimension_semantics<core_parallel>, #tpu.dimension_semantics<subcore_parallel>], iteration_bounds = array<i64: 2, 16>, scalar_prefetch = 0 : i64, scratch_operands = 6 : i64, tpu.core_type = #tpu.core_type<sc_vector_subcore>, window_params = [{transform_indices = #map}, {transform_indices = #map}, {transform_indices = #map}, {transform_indices = #map1}, {transform_indices = #map1}, {transform_indices = #map1}]} {
    %mul3A = arith.constant 2 : i32
    %mul3A_0 = arith.muli %arg1, %mul3A : i32
    %add3A = arith.addi %mul3A_0, %arg0 : i32
    %mul3A_1 = arith.constant 320 : i32
    %mul3A_2 = arith.muli %add3A, %mul3A_1 : i32
    "tpu.region"() ({
      %run_scoped3A = tpu.sem_alloc : memref<!tpu.dma_semaphore, #tpu.memory_space<semaphore_mem>>
      %dma_start3A_169 = tpu.memref_slice %arg2[%mul3A_2] : memref<10240xi32, #tpu.memory_space<hbm>> -> memref<320xi32, #tpu.memory_space<hbm>>
      %dma_start3A_170 = tpu.memref_slice %arg2[%mul3A_2] : memref<10240xi32, #tpu.memory_space<hbm>> -> memref<320xi32, #tpu.memory_space<hbm>>
      tpu.enqueue_dma source(%dma_start3A_170 : memref<320xi32, #tpu.memory_space<hbm>>) target(%arg8 : memref<320xi32, #tpu.memory_space<vmem>>) target_semaphore(%run_scoped3A : memref<!tpu.dma_semaphore, #tpu.memory_space<semaphore_mem>>)
      %dma_wait3A_171 = tpu.memref_slice %arg2[%mul3A_2] : memref<10240xi32, #tpu.memory_space<hbm>> -> memref<320xi32, #tpu.memory_space<hbm>>
      %dma_wait3A_172 = tpu.memref_slice %arg2[%mul3A_2] : memref<10240xi32, #tpu.memory_space<hbm>> -> memref<320xi32, #tpu.memory_space<hbm>>
      tpu.wait_dma2 semaphore(%run_scoped3A : memref<!tpu.dma_semaphore, #tpu.memory_space<semaphore_mem>>) src(%dma_wait3A_172 : memref<320xi32, #tpu.memory_space<hbm>>) dst(%arg8 : memref<320xi32, #tpu.memory_space<vmem>>)
      tpu.yield
    }) : () -> ()
    %dma_start3A = arith.constant 0 : i32
    %dma_start3A_3 = tpu.memref_slice %arg9[%dma_start3A] : memref<320xi32, #tpu.memory_space<vmem>> -> memref<128xi32, #tpu.memory_space<vmem>>
    %dma_start3A_4 = arith.constant 0 : i32
    %dma_start3A_5 = tpu.memref_slice %arg8[%dma_start3A_4] : memref<320xi32, #tpu.memory_space<vmem>> -> memref<128xi32, #tpu.memory_space<vmem>>
    %dma_start3A_6 = arith.constant 0 : i32
    %dma_start3A_7 = tpu.memref_slice %arg3[%dma_start3A_6] : memref<10240xi32, #tpu.memory_space<hbm>> -> memref<10240xi32, #tpu.memory_space<hbm>>
    tpu.enqueue_indirect_dma source(%dma_start3A_7 : memref<10240xi32, #tpu.memory_space<hbm>>) target(%dma_start3A_3 : memref<128xi32, #tpu.memory_space<vmem>>) offsets(%dma_start3A_5 : memref<128xi32, #tpu.memory_space<vmem>>) semaphore(%arg13 : memref<!tpu.dma_semaphore, #tpu.memory_space<semaphore_mem>>)
    %dma_start3A_8 = arith.constant 0 : i32
    %dma_start3A_9 = tpu.memref_slice %arg10[%dma_start3A_8] : memref<320xi32, #tpu.memory_space<vmem>> -> memref<128xi32, #tpu.memory_space<vmem>>
    %dma_start3A_10 = arith.constant 0 : i32
    %dma_start3A_11 = tpu.memref_slice %arg8[%dma_start3A_10] : memref<320xi32, #tpu.memory_space<vmem>> -> memref<128xi32, #tpu.memory_space<vmem>>
    %dma_start3A_12 = arith.constant 0 : i32
    %dma_start3A_13 = tpu.memref_slice %arg4[%dma_start3A_12] : memref<10240xi32, #tpu.memory_space<hbm>> -> memref<10240xi32, #tpu.memory_space<hbm>>
    tpu.enqueue_indirect_dma source(%dma_start3A_13 : memref<10240xi32, #tpu.memory_space<hbm>>) target(%dma_start3A_9 : memref<128xi32, #tpu.memory_space<vmem>>) offsets(%dma_start3A_11 : memref<128xi32, #tpu.memory_space<vmem>>) semaphore(%arg13 : memref<!tpu.dma_semaphore, #tpu.memory_space<semaphore_mem>>)
    %dma_start3A_14 = arith.constant 128 : i32
    %dma_start3A_15 = tpu.memref_slice %arg9[%dma_start3A_14] : memref<320xi32, #tpu.memory_space<vmem>> -> memref<128xi32, #tpu.memory_space<vmem>>
    %dma_start3A_16 = arith.constant 128 : i32
    %dma_start3A_17 = tpu.memref_slice %arg8[%dma_start3A_16] : memref<320xi32, #tpu.memory_space<vmem>> -> memref<128xi32, #tpu.memory_space<vmem>>
    %dma_start3A_18 = arith.constant 0 : i32
    %dma_start3A_19 = tpu.memref_slice %arg3[%dma_start3A_18] : memref<10240xi32, #tpu.memory_space<hbm>> -> memref<10240xi32, #tpu.memory_space<hbm>>
    tpu.enqueue_indirect_dma source(%dma_start3A_19 : memref<10240xi32, #tpu.memory_space<hbm>>) target(%dma_start3A_15 : memref<128xi32, #tpu.memory_space<vmem>>) offsets(%dma_start3A_17 : memref<128xi32, #tpu.memory_space<vmem>>) semaphore(%arg13 : memref<!tpu.dma_semaphore, #tpu.memory_space<semaphore_mem>>)
    %dma_start3A_20 = arith.constant 128 : i32
    %dma_start3A_21 = tpu.memref_slice %arg10[%dma_start3A_20] : memref<320xi32, #tpu.memory_space<vmem>> -> memref<128xi32, #tpu.memory_space<vmem>>
    %dma_start3A_22 = arith.constant 128 : i32
    %dma_start3A_23 = tpu.memref_slice %arg8[%dma_start3A_22] : memref<320xi32, #tpu.memory_space<vmem>> -> memref<128xi32, #tpu.memory_space<vmem>>
    %dma_start3A_24 = arith.constant 0 : i32
    %dma_start3A_25 = tpu.memref_slice %arg4[%dma_start3A_24] : memref<10240xi32, #tpu.memory_space<hbm>> -> memref<10240xi32, #tpu.memory_space<hbm>>
    tpu.enqueue_indirect_dma source(%dma_start3A_25 : memref<10240xi32, #tpu.memory_space<hbm>>) target(%dma_start3A_21 : memref<128xi32, #tpu.memory_space<vmem>>) offsets(%dma_start3A_23 : memref<128xi32, #tpu.memory_space<vmem>>) semaphore(%arg13 : memref<!tpu.dma_semaphore, #tpu.memory_space<semaphore_mem>>)
    %dma_start3A_26 = arith.constant 256 : i32
    %dma_start3A_27 = tpu.memref_slice %arg9[%dma_start3A_26] : memref<320xi32, #tpu.memory_space<vmem>> -> memref<64xi32, #tpu.memory_space<vmem>>
    %dma_start3A_28 = arith.constant 256 : i32
    %dma_start3A_29 = tpu.memref_slice %arg8[%dma_start3A_28] : memref<320xi32, #tpu.memory_space<vmem>> -> memref<64xi32, #tpu.memory_space<vmem>>
    %dma_start3A_30 = arith.constant 0 : i32
    %dma_start3A_31 = tpu.memref_slice %arg3[%dma_start3A_30] : memref<10240xi32, #tpu.memory_space<hbm>> -> memref<10240xi32, #tpu.memory_space<hbm>>
    tpu.enqueue_indirect_dma source(%dma_start3A_31 : memref<10240xi32, #tpu.memory_space<hbm>>) target(%dma_start3A_27 : memref<64xi32, #tpu.memory_space<vmem>>) offsets(%dma_start3A_29 : memref<64xi32, #tpu.memory_space<vmem>>) semaphore(%arg13 : memref<!tpu.dma_semaphore, #tpu.memory_space<semaphore_mem>>)
    %dma_start3A_32 = arith.constant 256 : i32
    %dma_start3A_33 = tpu.memref_slice %arg10[%dma_start3A_32] : memref<320xi32, #tpu.memory_space<vmem>> -> memref<64xi32, #tpu.memory_space<vmem>>
    %dma_start3A_34 = arith.constant 256 : i32
    %dma_start3A_35 = tpu.memref_slice %arg8[%dma_start3A_34] : memref<320xi32, #tpu.memory_space<vmem>> -> memref<64xi32, #tpu.memory_space<vmem>>
    %dma_start3A_36 = arith.constant 0 : i32
    %dma_start3A_37 = tpu.memref_slice %arg4[%dma_start3A_36] : memref<10240xi32, #tpu.memory_space<hbm>> -> memref<10240xi32, #tpu.memory_space<hbm>>
    tpu.enqueue_indirect_dma source(%dma_start3A_37 : memref<10240xi32, #tpu.memory_space<hbm>>) target(%dma_start3A_33 : memref<64xi32, #tpu.memory_space<vmem>>) offsets(%dma_start3A_35 : memref<64xi32, #tpu.memory_space<vmem>>) semaphore(%arg13 : memref<!tpu.dma_semaphore, #tpu.memory_space<semaphore_mem>>)
    %dma_wait3A = arith.constant 0 : i32
    %dma_wait3A_38 = tpu.memref_slice %arg9[%dma_wait3A] : memref<320xi32, #tpu.memory_space<vmem>> -> memref<128xi32, #tpu.memory_space<vmem>>
    %dma_wait3A_39 = arith.constant 0 : i32
    %dma_wait3A_40 = tpu.memref_slice %arg8[%dma_wait3A_39] : memref<320xi32, #tpu.memory_space<vmem>> -> memref<128xi32, #tpu.memory_space<vmem>>
    %dma_wait3A_41 = arith.constant 0 : i32
    %dma_wait3A_42 = tpu.memref_slice %arg3[%dma_wait3A_41] : memref<10240xi32, #tpu.memory_space<hbm>> -> memref<10240xi32, #tpu.memory_space<hbm>>
    tpu.wait_indirect_dma semaphore(%arg13 : memref<!tpu.dma_semaphore, #tpu.memory_space<semaphore_mem>>) src(%dma_wait3A_42 : memref<10240xi32, #tpu.memory_space<hbm>>) dst(%dma_wait3A_38 : memref<128xi32, #tpu.memory_space<vmem>>)
    %dma_wait3A_43 = arith.constant 0 : i32
    %dma_wait3A_44 = tpu.memref_slice %arg10[%dma_wait3A_43] : memref<320xi32, #tpu.memory_space<vmem>> -> memref<128xi32, #tpu.memory_space<vmem>>
    %dma_wait3A_45 = arith.constant 0 : i32
    %dma_wait3A_46 = tpu.memref_slice %arg8[%dma_wait3A_45] : memref<320xi32, #tpu.memory_space<vmem>> -> memref<128xi32, #tpu.memory_space<vmem>>
    %dma_wait3A_47 = arith.constant 0 : i32
    %dma_wait3A_48 = tpu.memref_slice %arg4[%dma_wait3A_47] : memref<10240xi32, #tpu.memory_space<hbm>> -> memref<10240xi32, #tpu.memory_space<hbm>>
    tpu.wait_indirect_dma semaphore(%arg13 : memref<!tpu.dma_semaphore, #tpu.memory_space<semaphore_mem>>) src(%dma_wait3A_48 : memref<10240xi32, #tpu.memory_space<hbm>>) dst(%dma_wait3A_44 : memref<128xi32, #tpu.memory_space<vmem>>)
    %dma_wait3A_49 = arith.constant 128 : i32
    %dma_wait3A_50 = tpu.memref_slice %arg9[%dma_wait3A_49] : memref<320xi32, #tpu.memory_space<vmem>> -> memref<128xi32, #tpu.memory_space<vmem>>
    %dma_wait3A_51 = arith.constant 128 : i32
    %dma_wait3A_52 = tpu.memref_slice %arg8[%dma_wait3A_51] : memref<320xi32, #tpu.memory_space<vmem>> -> memref<128xi32, #tpu.memory_space<vmem>>
    %dma_wait3A_53 = arith.constant 0 : i32
    %dma_wait3A_54 = tpu.memref_slice %arg3[%dma_wait3A_53] : memref<10240xi32, #tpu.memory_space<hbm>> -> memref<10240xi32, #tpu.memory_space<hbm>>
    tpu.wait_indirect_dma semaphore(%arg13 : memref<!tpu.dma_semaphore, #tpu.memory_space<semaphore_mem>>) src(%dma_wait3A_54 : memref<10240xi32, #tpu.memory_space<hbm>>) dst(%dma_wait3A_50 : memref<128xi32, #tpu.memory_space<vmem>>)
    %dma_wait3A_55 = arith.constant 128 : i32
    %dma_wait3A_56 = tpu.memref_slice %arg10[%dma_wait3A_55] : memref<320xi32, #tpu.memory_space<vmem>> -> memref<128xi32, #tpu.memory_space<vmem>>
    %dma_wait3A_57 = arith.constant 128 : i32
    %dma_wait3A_58 = tpu.memref_slice %arg8[%dma_wait3A_57] : memref<320xi32, #tpu.memory_space<vmem>> -> memref<128xi32, #tpu.memory_space<vmem>>
    %dma_wait3A_59 = arith.constant 0 : i32
    %dma_wait3A_60 = tpu.memref_slice %arg4[%dma_wait3A_59] : memref<10240xi32, #tpu.memory_space<hbm>> -> memref<10240xi32, #tpu.memory_space<hbm>>
    tpu.wait_indirect_dma semaphore(%arg13 : memref<!tpu.dma_semaphore, #tpu.memory_space<semaphore_mem>>) src(%dma_wait3A_60 : memref<10240xi32, #tpu.memory_space<hbm>>) dst(%dma_wait3A_56 : memref<128xi32, #tpu.memory_space<vmem>>)
    %dma_wait3A_61 = arith.constant 256 : i32
    %dma_wait3A_62 = tpu.memref_slice %arg9[%dma_wait3A_61] : memref<320xi32, #tpu.memory_space<vmem>> -> memref<64xi32, #tpu.memory_space<vmem>>
    %dma_wait3A_63 = arith.constant 256 : i32
    %dma_wait3A_64 = tpu.memref_slice %arg8[%dma_wait3A_63] : memref<320xi32, #tpu.memory_space<vmem>> -> memref<64xi32, #tpu.memory_space<vmem>>
    %dma_wait3A_65 = arith.constant 0 : i32
    %dma_wait3A_66 = tpu.memref_slice %arg3[%dma_wait3A_65] : memref<10240xi32, #tpu.memory_space<hbm>> -> memref<10240xi32, #tpu.memory_space<hbm>>
    tpu.wait_indirect_dma semaphore(%arg13 : memref<!tpu.dma_semaphore, #tpu.memory_space<semaphore_mem>>) src(%dma_wait3A_66 : memref<10240xi32, #tpu.memory_space<hbm>>) dst(%dma_wait3A_62 : memref<64xi32, #tpu.memory_space<vmem>>)
    %dma_wait3A_67 = arith.constant 256 : i32
    %dma_wait3A_68 = tpu.memref_slice %arg10[%dma_wait3A_67] : memref<320xi32, #tpu.memory_space<vmem>> -> memref<64xi32, #tpu.memory_space<vmem>>
    %dma_wait3A_69 = arith.constant 256 : i32
    %dma_wait3A_70 = tpu.memref_slice %arg8[%dma_wait3A_69] : memref<320xi32, #tpu.memory_space<vmem>> -> memref<64xi32, #tpu.memory_space<vmem>>
    %dma_wait3A_71 = arith.constant 0 : i32
    %dma_wait3A_72 = tpu.memref_slice %arg4[%dma_wait3A_71] : memref<10240xi32, #tpu.memory_space<hbm>> -> memref<10240xi32, #tpu.memory_space<hbm>>
    tpu.wait_indirect_dma semaphore(%arg13 : memref<!tpu.dma_semaphore, #tpu.memory_space<semaphore_mem>>) src(%dma_wait3A_72 : memref<10240xi32, #tpu.memory_space<hbm>>) dst(%dma_wait3A_68 : memref<64xi32, #tpu.memory_space<vmem>>)
    %dma_start3A_73 = arith.constant 0 : i32
    %dma_start3A_74 = arith.constant 0 : i32
    %dma_start3A_75 = tpu.memref_slice %arg11[%dma_start3A_73, %dma_start3A_74] : memref<320x128xf32, #tpu.memory_space<vmem>> -> memref<128x128xf32, #tpu.memory_space<vmem>>
    %dma_start3A_76 = arith.constant 0 : i32
    %dma_start3A_77 = tpu.memref_slice %arg9[%dma_start3A_76] : memref<320xi32, #tpu.memory_space<vmem>> -> memref<128xi32, #tpu.memory_space<vmem>>
    %dma_start3A_78 = arith.constant 0 : i32
    %dma_start3A_79 = arith.constant 0 : i32
    %dma_start3A_80 = tpu.memref_slice %arg5[%dma_start3A_78, %dma_start3A_79] : memref<10000x128xf32, #tpu.memory_space<hbm>> -> memref<10000x128xf32, #tpu.memory_space<hbm>>
    tpu.enqueue_indirect_dma source(%dma_start3A_80 : memref<10000x128xf32, #tpu.memory_space<hbm>>) target(%dma_start3A_75 : memref<128x128xf32, #tpu.memory_space<vmem>>) offsets(%dma_start3A_77 : memref<128xi32, #tpu.memory_space<vmem>>) semaphore(%arg13 : memref<!tpu.dma_semaphore, #tpu.memory_space<semaphore_mem>>)
    %dma_start3A_81 = arith.constant 0 : i32
    %dma_start3A_82 = arith.constant 0 : i32
    %dma_start3A_83 = tpu.memref_slice %arg12[%dma_start3A_81, %dma_start3A_82] : memref<320x128xf32, #tpu.memory_space<vmem>> -> memref<128x128xf32, #tpu.memory_space<vmem>>
    %dma_start3A_84 = arith.constant 0 : i32
    %dma_start3A_85 = tpu.memref_slice %arg10[%dma_start3A_84] : memref<320xi32, #tpu.memory_space<vmem>> -> memref<128xi32, #tpu.memory_space<vmem>>
    %dma_start3A_86 = arith.constant 0 : i32
    %dma_start3A_87 = arith.constant 0 : i32
    %dma_start3A_88 = tpu.memref_slice %arg5[%dma_start3A_86, %dma_start3A_87] : memref<10000x128xf32, #tpu.memory_space<hbm>> -> memref<10000x128xf32, #tpu.memory_space<hbm>>
    tpu.enqueue_indirect_dma source(%dma_start3A_88 : memref<10000x128xf32, #tpu.memory_space<hbm>>) target(%dma_start3A_83 : memref<128x128xf32, #tpu.memory_space<vmem>>) offsets(%dma_start3A_85 : memref<128xi32, #tpu.memory_space<vmem>>) semaphore(%arg13 : memref<!tpu.dma_semaphore, #tpu.memory_space<semaphore_mem>>)
    %dma_start3A_89 = arith.constant 128 : i32
    %dma_start3A_90 = arith.constant 0 : i32
    %dma_start3A_91 = tpu.memref_slice %arg11[%dma_start3A_89, %dma_start3A_90] : memref<320x128xf32, #tpu.memory_space<vmem>> -> memref<128x128xf32, #tpu.memory_space<vmem>>
    %dma_start3A_92 = arith.constant 128 : i32
    %dma_start3A_93 = tpu.memref_slice %arg9[%dma_start3A_92] : memref<320xi32, #tpu.memory_space<vmem>> -> memref<128xi32, #tpu.memory_space<vmem>>
    %dma_start3A_94 = arith.constant 0 : i32
    %dma_start3A_95 = arith.constant 0 : i32
    %dma_start3A_96 = tpu.memref_slice %arg5[%dma_start3A_94, %dma_start3A_95] : memref<10000x128xf32, #tpu.memory_space<hbm>> -> memref<10000x128xf32, #tpu.memory_space<hbm>>
    tpu.enqueue_indirect_dma source(%dma_start3A_96 : memref<10000x128xf32, #tpu.memory_space<hbm>>) target(%dma_start3A_91 : memref<128x128xf32, #tpu.memory_space<vmem>>) offsets(%dma_start3A_93 : memref<128xi32, #tpu.memory_space<vmem>>) semaphore(%arg13 : memref<!tpu.dma_semaphore, #tpu.memory_space<semaphore_mem>>)
    %dma_start3A_97 = arith.constant 128 : i32
    %dma_start3A_98 = arith.constant 0 : i32
    %dma_start3A_99 = tpu.memref_slice %arg12[%dma_start3A_97, %dma_start3A_98] : memref<320x128xf32, #tpu.memory_space<vmem>> -> memref<128x128xf32, #tpu.memory_space<vmem>>
    %dma_start3A_100 = arith.constant 128 : i32
    %dma_start3A_101 = tpu.memref_slice %arg10[%dma_start3A_100] : memref<320xi32, #tpu.memory_space<vmem>> -> memref<128xi32, #tpu.memory_space<vmem>>
    %dma_start3A_102 = arith.constant 0 : i32
    %dma_start3A_103 = arith.constant 0 : i32
    %dma_start3A_104 = tpu.memref_slice %arg5[%dma_start3A_102, %dma_start3A_103] : memref<10000x128xf32, #tpu.memory_space<hbm>> -> memref<10000x128xf32, #tpu.memory_space<hbm>>
    tpu.enqueue_indirect_dma source(%dma_start3A_104 : memref<10000x128xf32, #tpu.memory_space<hbm>>) target(%dma_start3A_99 : memref<128x128xf32, #tpu.memory_space<vmem>>) offsets(%dma_start3A_101 : memref<128xi32, #tpu.memory_space<vmem>>) semaphore(%arg13 : memref<!tpu.dma_semaphore, #tpu.memory_space<semaphore_mem>>)
    %dma_start3A_105 = arith.constant 256 : i32
    %dma_start3A_106 = arith.constant 0 : i32
    %dma_start3A_107 = tpu.memref_slice %arg11[%dma_start3A_105, %dma_start3A_106] : memref<320x128xf32, #tpu.memory_space<vmem>> -> memref<64x128xf32, #tpu.memory_space<vmem>>
    %dma_start3A_108 = arith.constant 256 : i32
    %dma_start3A_109 = tpu.memref_slice %arg9[%dma_start3A_108] : memref<320xi32, #tpu.memory_space<vmem>> -> memref<64xi32, #tpu.memory_space<vmem>>
    %dma_start3A_110 = arith.constant 0 : i32
    %dma_start3A_111 = arith.constant 0 : i32
    %dma_start3A_112 = tpu.memref_slice %arg5[%dma_start3A_110, %dma_start3A_111] : memref<10000x128xf32, #tpu.memory_space<hbm>> -> memref<10000x128xf32, #tpu.memory_space<hbm>>
    tpu.enqueue_indirect_dma source(%dma_start3A_112 : memref<10000x128xf32, #tpu.memory_space<hbm>>) target(%dma_start3A_107 : memref<64x128xf32, #tpu.memory_space<vmem>>) offsets(%dma_start3A_109 : memref<64xi32, #tpu.memory_space<vmem>>) semaphore(%arg13 : memref<!tpu.dma_semaphore, #tpu.memory_space<semaphore_mem>>)
    %dma_start3A_113 = arith.constant 256 : i32
    %dma_start3A_114 = arith.constant 0 : i32
    %dma_start3A_115 = tpu.memref_slice %arg12[%dma_start3A_113, %dma_start3A_114] : memref<320x128xf32, #tpu.memory_space<vmem>> -> memref<64x128xf32, #tpu.memory_space<vmem>>
    %dma_start3A_116 = arith.constant 256 : i32
    %dma_start3A_117 = tpu.memref_slice %arg10[%dma_start3A_116] : memref<320xi32, #tpu.memory_space<vmem>> -> memref<64xi32, #tpu.memory_space<vmem>>
    %dma_start3A_118 = arith.constant 0 : i32
    %dma_start3A_119 = arith.constant 0 : i32
    %dma_start3A_120 = tpu.memref_slice %arg5[%dma_start3A_118, %dma_start3A_119] : memref<10000x128xf32, #tpu.memory_space<hbm>> -> memref<10000x128xf32, #tpu.memory_space<hbm>>
    tpu.enqueue_indirect_dma source(%dma_start3A_120 : memref<10000x128xf32, #tpu.memory_space<hbm>>) target(%dma_start3A_115 : memref<64x128xf32, #tpu.memory_space<vmem>>) offsets(%dma_start3A_117 : memref<64xi32, #tpu.memory_space<vmem>>) semaphore(%arg13 : memref<!tpu.dma_semaphore, #tpu.memory_space<semaphore_mem>>)
    %dma_wait3A_121 = arith.constant 0 : i32
    %dma_wait3A_122 = arith.constant 0 : i32
    %dma_wait3A_123 = tpu.memref_slice %arg11[%dma_wait3A_121, %dma_wait3A_122] : memref<320x128xf32, #tpu.memory_space<vmem>> -> memref<128x128xf32, #tpu.memory_space<vmem>>
    %dma_wait3A_124 = arith.constant 0 : i32
    %dma_wait3A_125 = tpu.memref_slice %arg9[%dma_wait3A_124] : memref<320xi32, #tpu.memory_space<vmem>> -> memref<128xi32, #tpu.memory_space<vmem>>
    %dma_wait3A_126 = arith.constant 0 : i32
    %dma_wait3A_127 = arith.constant 0 : i32
    %dma_wait3A_128 = tpu.memref_slice %arg5[%dma_wait3A_126, %dma_wait3A_127] : memref<10000x128xf32, #tpu.memory_space<hbm>> -> memref<10000x128xf32, #tpu.memory_space<hbm>>
    tpu.wait_indirect_dma semaphore(%arg13 : memref<!tpu.dma_semaphore, #tpu.memory_space<semaphore_mem>>) src(%dma_wait3A_128 : memref<10000x128xf32, #tpu.memory_space<hbm>>) dst(%dma_wait3A_123 : memref<128x128xf32, #tpu.memory_space<vmem>>)
    %dma_wait3A_129 = arith.constant 0 : i32
    %dma_wait3A_130 = arith.constant 0 : i32
    %dma_wait3A_131 = tpu.memref_slice %arg12[%dma_wait3A_129, %dma_wait3A_130] : memref<320x128xf32, #tpu.memory_space<vmem>> -> memref<128x128xf32, #tpu.memory_space<vmem>>
    %dma_wait3A_132 = arith.constant 0 : i32
    %dma_wait3A_133 = tpu.memref_slice %arg10[%dma_wait3A_132] : memref<320xi32, #tpu.memory_space<vmem>> -> memref<128xi32, #tpu.memory_space<vmem>>
    %dma_wait3A_134 = arith.constant 0 : i32
    %dma_wait3A_135 = arith.constant 0 : i32
    %dma_wait3A_136 = tpu.memref_slice %arg5[%dma_wait3A_134, %dma_wait3A_135] : memref<10000x128xf32, #tpu.memory_space<hbm>> -> memref<10000x128xf32, #tpu.memory_space<hbm>>
    tpu.wait_indirect_dma semaphore(%arg13 : memref<!tpu.dma_semaphore, #tpu.memory_space<semaphore_mem>>) src(%dma_wait3A_136 : memref<10000x128xf32, #tpu.memory_space<hbm>>) dst(%dma_wait3A_131 : memref<128x128xf32, #tpu.memory_space<vmem>>)
    %dma_wait3A_137 = arith.constant 128 : i32
    %dma_wait3A_138 = arith.constant 0 : i32
    %dma_wait3A_139 = tpu.memref_slice %arg11[%dma_wait3A_137, %dma_wait3A_138] : memref<320x128xf32, #tpu.memory_space<vmem>> -> memref<128x128xf32, #tpu.memory_space<vmem>>
    %dma_wait3A_140 = arith.constant 128 : i32
    %dma_wait3A_141 = tpu.memref_slice %arg9[%dma_wait3A_140] : memref<320xi32, #tpu.memory_space<vmem>> -> memref<128xi32, #tpu.memory_space<vmem>>
    %dma_wait3A_142 = arith.constant 0 : i32
    %dma_wait3A_143 = arith.constant 0 : i32
    %dma_wait3A_144 = tpu.memref_slice %arg5[%dma_wait3A_142, %dma_wait3A_143] : memref<10000x128xf32, #tpu.memory_space<hbm>> -> memref<10000x128xf32, #tpu.memory_space<hbm>>
    tpu.wait_indirect_dma semaphore(%arg13 : memref<!tpu.dma_semaphore, #tpu.memory_space<semaphore_mem>>) src(%dma_wait3A_144 : memref<10000x128xf32, #tpu.memory_space<hbm>>) dst(%dma_wait3A_139 : memref<128x128xf32, #tpu.memory_space<vmem>>)
    %dma_wait3A_145 = arith.constant 128 : i32
    %dma_wait3A_146 = arith.constant 0 : i32
    %dma_wait3A_147 = tpu.memref_slice %arg12[%dma_wait3A_145, %dma_wait3A_146] : memref<320x128xf32, #tpu.memory_space<vmem>> -> memref<128x128xf32, #tpu.memory_space<vmem>>
    %dma_wait3A_148 = arith.constant 128 : i32
    %dma_wait3A_149 = tpu.memref_slice %arg10[%dma_wait3A_148] : memref<320xi32, #tpu.memory_space<vmem>> -> memref<128xi32, #tpu.memory_space<vmem>>
    %dma_wait3A_150 = arith.constant 0 : i32
    %dma_wait3A_151 = arith.constant 0 : i32
    %dma_wait3A_152 = tpu.memref_slice %arg5[%dma_wait3A_150, %dma_wait3A_151] : memref<10000x128xf32, #tpu.memory_space<hbm>> -> memref<10000x128xf32, #tpu.memory_space<hbm>>
    tpu.wait_indirect_dma semaphore(%arg13 : memref<!tpu.dma_semaphore, #tpu.memory_space<semaphore_mem>>) src(%dma_wait3A_152 : memref<10000x128xf32, #tpu.memory_space<hbm>>) dst(%dma_wait3A_147 : memref<128x128xf32, #tpu.memory_space<vmem>>)
    %dma_wait3A_153 = arith.constant 256 : i32
    %dma_wait3A_154 = arith.constant 0 : i32
    %dma_wait3A_155 = tpu.memref_slice %arg11[%dma_wait3A_153, %dma_wait3A_154] : memref<320x128xf32, #tpu.memory_space<vmem>> -> memref<64x128xf32, #tpu.memory_space<vmem>>
    %dma_wait3A_156 = arith.constant 256 : i32
    %dma_wait3A_157 = tpu.memref_slice %arg9[%dma_wait3A_156] : memref<320xi32, #tpu.memory_space<vmem>> -> memref<64xi32, #tpu.memory_space<vmem>>
    %dma_wait3A_158 = arith.constant 0 : i32
    %dma_wait3A_159 = arith.constant 0 : i32
    %dma_wait3A_160 = tpu.memref_slice %arg5[%dma_wait3A_158, %dma_wait3A_159] : memref<10000x128xf32, #tpu.memory_space<hbm>> -> memref<10000x128xf32, #tpu.memory_space<hbm>>
    tpu.wait_indirect_dma semaphore(%arg13 : memref<!tpu.dma_semaphore, #tpu.memory_space<semaphore_mem>>) src(%dma_wait3A_160 : memref<10000x128xf32, #tpu.memory_space<hbm>>) dst(%dma_wait3A_155 : memref<64x128xf32, #tpu.memory_space<vmem>>)
    %dma_wait3A_161 = arith.constant 256 : i32
    %dma_wait3A_162 = arith.constant 0 : i32
    %dma_wait3A_163 = tpu.memref_slice %arg12[%dma_wait3A_161, %dma_wait3A_162] : memref<320x128xf32, #tpu.memory_space<vmem>> -> memref<64x128xf32, #tpu.memory_space<vmem>>
    %dma_wait3A_164 = arith.constant 256 : i32
    %dma_wait3A_165 = tpu.memref_slice %arg10[%dma_wait3A_164] : memref<320xi32, #tpu.memory_space<vmem>> -> memref<64xi32, #tpu.memory_space<vmem>>
    %dma_wait3A_166 = arith.constant 0 : i32
    %dma_wait3A_167 = arith.constant 0 : i32
    %dma_wait3A_168 = tpu.memref_slice %arg5[%dma_wait3A_166, %dma_wait3A_167] : memref<10000x128xf32, #tpu.memory_space<hbm>> -> memref<10000x128xf32, #tpu.memory_space<hbm>>
    tpu.wait_indirect_dma semaphore(%arg13 : memref<!tpu.dma_semaphore, #tpu.memory_space<semaphore_mem>>) src(%dma_wait3A_168 : memref<10000x128xf32, #tpu.memory_space<hbm>>) dst(%dma_wait3A_163 : memref<64x128xf32, #tpu.memory_space<vmem>>)
    "tpu.region"() ({
      %run_scoped3A = tpu.sem_alloc : memref<!tpu.dma_semaphore, #tpu.memory_space<semaphore_mem>>
      %dma_start3A_169 = arith.constant 0 : i32
      %dma_start3A_170 = tpu.memref_slice %arg6[%mul3A_2, %dma_start3A_169] : memref<10240x128xf32, #tpu.memory_space<hbm>> -> memref<320x128xf32, #tpu.memory_space<hbm>>
      %dma_start3A_171 = arith.constant 0 : i32
      %dma_start3A_172 = tpu.memref_slice %arg6[%mul3A_2, %dma_start3A_171] : memref<10240x128xf32, #tpu.memory_space<hbm>> -> memref<320x128xf32, #tpu.memory_space<hbm>>
      tpu.enqueue_dma source(%arg11 : memref<320x128xf32, #tpu.memory_space<vmem>>) target(%dma_start3A_172 : memref<320x128xf32, #tpu.memory_space<hbm>>) target_semaphore(%run_scoped3A : memref<!tpu.dma_semaphore, #tpu.memory_space<semaphore_mem>>)
      %dma_wait3A_173 = arith.constant 0 : i32
      %dma_wait3A_174 = tpu.memref_slice %arg6[%mul3A_2, %dma_wait3A_173] : memref<10240x128xf32, #tpu.memory_space<hbm>> -> memref<320x128xf32, #tpu.memory_space<hbm>>
      %dma_wait3A_175 = arith.constant 0 : i32
      %dma_wait3A_176 = tpu.memref_slice %arg6[%mul3A_2, %dma_wait3A_175] : memref<10240x128xf32, #tpu.memory_space<hbm>> -> memref<320x128xf32, #tpu.memory_space<hbm>>
      tpu.wait_dma2 semaphore(%run_scoped3A : memref<!tpu.dma_semaphore, #tpu.memory_space<semaphore_mem>>) src(%arg11 : memref<320x128xf32, #tpu.memory_space<vmem>>) dst(%dma_wait3A_176 : memref<320x128xf32, #tpu.memory_space<hbm>>)
      tpu.yield
    }) : () -> ()
    "tpu.region"() ({
      %run_scoped3A = tpu.sem_alloc : memref<!tpu.dma_semaphore, #tpu.memory_space<semaphore_mem>>
      %dma_start3A_169 = arith.constant 0 : i32
      %dma_start3A_170 = tpu.memref_slice %arg7[%mul3A_2, %dma_start3A_169] : memref<10240x128xf32, #tpu.memory_space<hbm>> -> memref<320x128xf32, #tpu.memory_space<hbm>>
      %dma_start3A_171 = arith.constant 0 : i32
      %dma_start3A_172 = tpu.memref_slice %arg7[%mul3A_2, %dma_start3A_171] : memref<10240x128xf32, #tpu.memory_space<hbm>> -> memref<320x128xf32, #tpu.memory_space<hbm>>
      tpu.enqueue_dma source(%arg12 : memref<320x128xf32, #tpu.memory_space<vmem>>) target(%dma_start3A_172 : memref<320x128xf32, #tpu.memory_space<hbm>>) target_semaphore(%run_scoped3A : memref<!tpu.dma_semaphore, #tpu.memory_space<semaphore_mem>>)
      %dma_wait3A_173 = arith.constant 0 : i32
      %dma_wait3A_174 = tpu.memref_slice %arg7[%mul3A_2, %dma_wait3A_173] : memref<10240x128xf32, #tpu.memory_space<hbm>> -> memref<320x128xf32, #tpu.memory_space<hbm>>
      %dma_wait3A_175 = arith.constant 0 : i32
      %dma_wait3A_176 = tpu.memref_slice %arg7[%mul3A_2, %dma_wait3A_175] : memref<10240x128xf32, #tpu.memory_space<hbm>> -> memref<320x128xf32, #tpu.memory_space<hbm>>
      tpu.wait_dma2 semaphore(%run_scoped3A : memref<!tpu.dma_semaphore, #tpu.memory_space<semaphore_mem>>) src(%arg12 : memref<320x128xf32, #tpu.memory_space<vmem>>) dst(%dma_wait3A_176 : memref<320x128xf32, #tpu.memory_space<hbm>>)
      tpu.yield
    }) : () -> ()
    return
  }
}

module attributes {stable_mosaic.version = 14 : i64} {
  func.func @_seg_mm_kernel(%arg0: i32, %arg1: memref<209xi32, #tpu.memory_space<smem>>, %arg2: memref<209xi32, #tpu.memory_space<smem>>, %arg3: memref<209xi32, #tpu.memory_space<smem>>, %arg4: memref<209xi32, #tpu.memory_space<smem>>, %arg5: memref<256x128xf32, #tpu.memory_space<vmem>>, %arg6: memref<256x128xf32, #tpu.memory_space<vmem>>, %arg7: memref<1x64x128xbf16, #tpu.memory_space<vmem>>, %arg8: memref<1x1x128xf32, #tpu.memory_space<vmem>>, %arg9: memref<256x128xf32, #tpu.memory_space<vmem>>, %arg10: memref<256x128xf32, #tpu.memory_space<vmem>>) attributes {dimension_semantics = [#tpu.dimension_semantics<arbitrary>], iteration_bounds = array<i64: 209>, scalar_prefetch = 4 : i64, scratch_operands = 0 : i64, tpu.core_type = #tpu.core_type<tc>, window_params = [{transform_indices = @transform_0, window_bounds = array<i64: 256, 128>}, {transform_indices = @transform_1, window_bounds = array<i64: 256, 128>}, {transform_indices = @transform_2, window_bounds = array<i64: 1, 64, 128>}, {transform_indices = @transform_3, window_bounds = array<i64: 1, 1, 128>}, {transform_indices = @transform_4, window_bounds = array<i64: 256, 128>}, {transform_indices = @transform_5, window_bounds = array<i64: 256, 128>}]} {
    %get3A = arith.index_cast %arg0 : i32 to index
    %get3A_0 = memref.load %arg3[%get3A] : memref<209xi32, #tpu.memory_space<smem>>
    %get3A_1 = arith.index_cast %arg0 : i32 to index
    %get3A_2 = memref.load %arg4[%get3A_1] : memref<209xi32, #tpu.memory_space<smem>>
    %iota3A = tpu.iota {dimensions = array<i32: 0>} : vector<256x1xi32>
    %ge3A = vector.broadcast %get3A_0 : i32 to vector<256x1xi32>
    %ge3A_3 = arith.cmpi sge, %iota3A, %ge3A : vector<256x1xi32>
    %lt3A = vector.broadcast %get3A_2 : i32 to vector<256x1xi32>
    %lt3A_4 = arith.cmpi slt, %iota3A, %lt3A : vector<256x1xi32>
    %and3A = arith.andi %ge3A_3, %lt3A_4 : vector<256x1xi1>
    %get3A_5 = arith.constant 0 : index
    %get3A_6 = arith.constant 0 : index
    %get3A_7 = arith.constant 0 : index
    %get3A_8 = vector.load %arg7[%get3A_5, %get3A_6, %get3A_7] : memref<1x64x128xbf16, #tpu.memory_space<vmem>>, vector<1x64x128xbf16>
    %get3A_9 = vector.shape_cast %get3A_8 : vector<1x64x128xbf16> to vector<64x128xbf16>
    %get3A_10 = arith.constant 0 : index
    %get3A_11 = arith.constant 0 : index
    %get3A_12 = arith.constant 0 : index
    %get3A_13 = vector.load %arg8[%get3A_10, %get3A_11, %get3A_12] : memref<1x1x128xf32, #tpu.memory_space<vmem>>, vector<1x1x128xf32>
    %get3A_14 = vector.shape_cast %get3A_13 : vector<1x1x128xf32> to vector<128xf32>
    %get3A_15 = arith.constant 0 : index
    %get3A_16 = arith.constant 0 : index
    %get3A_17 = vector.load %arg5[%get3A_15, %get3A_16] : memref<256x128xf32, #tpu.memory_space<vmem>>, vector<256x64xf32>
    %convert_element_type3A = arith.truncf %get3A_17 : vector<256x64xf32> to vector<256x64xbf16>
    %get3A_18 = arith.constant 0 : index
    %get3A_19 = arith.constant 0 : index
    %get3A_20 = vector.load %arg6[%get3A_18, %get3A_19] : memref<256x128xf32, #tpu.memory_space<vmem>>, vector<256x64xf32>
    %convert_element_type3A_21 = arith.truncf %get3A_20 : vector<256x64xf32> to vector<256x64xbf16>
    %dot_general3A = arith.constant dense<0.000000e+00> : vector<256x128xf32>
    %dot_general3A_22 = tpu.matmul %convert_element_type3A, %get3A_9, %dot_general3A {dimension_numbers = #tpu.dot_dimension_numbers<[1], [0], [0], [1], [0, 0, 1, 1], [], []>, transpose_lhs_hint = false} : vector<256x64xbf16>, vector<64x128xbf16>, vector<256x128xf32> -> vector<256x128xf32>
    %broadcast_in_dim3A = vector.shape_cast %get3A_14 : vector<128xf32> to vector<1x128xf32>
    %add3A = vector.broadcast %broadcast_in_dim3A : vector<1x128xf32> to vector<256x128xf32>
    %add3A_23 = arith.addf %dot_general3A_22, %add3A : vector<256x128xf32>
    %max3A = arith.constant 0.000000e+00 : f32
    %max3A_24 = vector.broadcast %max3A : f32 to vector<256x128xf32>
    %max3A_25 = arith.maximumf %add3A_23, %max3A_24 : vector<256x128xf32>
    %dot_general3A_26 = arith.constant dense<0.000000e+00> : vector<256x128xf32>
    %dot_general3A_27 = tpu.matmul %convert_element_type3A_21, %get3A_9, %dot_general3A_26 {dimension_numbers = #tpu.dot_dimension_numbers<[1], [0], [0], [1], [0, 0, 1, 1], [], []>, transpose_lhs_hint = false} : vector<256x64xbf16>, vector<64x128xbf16>, vector<256x128xf32> -> vector<256x128xf32>
    %broadcast_in_dim3A_28 = vector.shape_cast %get3A_14 : vector<128xf32> to vector<1x128xf32>
    %add3A_29 = vector.broadcast %broadcast_in_dim3A_28 : vector<1x128xf32> to vector<256x128xf32>
    %add3A_30 = arith.addf %dot_general3A_27, %add3A_29 : vector<256x128xf32>
    %max3A_31 = arith.constant 0.000000e+00 : f32
    %max3A_32 = vector.broadcast %max3A_31 : f32 to vector<256x128xf32>
    %max3A_33 = arith.maximumf %add3A_30, %max3A_32 : vector<256x128xf32>
    %get3A_34 = arith.constant 0 : index
    %get3A_35 = arith.constant 0 : index
    %get3A_36 = vector.load %arg9[%get3A_34, %get3A_35] : memref<256x128xf32, #tpu.memory_space<vmem>>, vector<256x128xf32>
    %broadcast_in_dim3A_37 = vector.shape_cast %and3A : vector<256x1xi1> to vector<256x1xi1>
    %broadcast_in_dim3A_38 = vector.broadcast %broadcast_in_dim3A_37 : vector<256x1xi1> to vector<256x128xi1>
    %select_n3A = arith.select %broadcast_in_dim3A_38, %max3A_25, %get3A_36 : vector<256x128xi1>, vector<256x128xf32>
    %swap3A = arith.constant 0 : index
    %swap3A_39 = arith.constant 0 : index
    %swap3A_40 = vector.load %arg9[%swap3A, %swap3A_39] : memref<256x128xf32, #tpu.memory_space<vmem>>, vector<256x128xf32>
    tpu.vector_store %arg9[%swap3A, %swap3A_39], %select_n3A {strides = array<i32>} : memref<256x128xf32, #tpu.memory_space<vmem>>, vector<256x128xf32>,
    %get3A_41 = arith.constant 0 : index
    %get3A_42 = arith.constant 0 : index
    %get3A_43 = vector.load %arg10[%get3A_41, %get3A_42] : memref<256x128xf32, #tpu.memory_space<vmem>>, vector<256x128xf32>
    %broadcast_in_dim3A_44 = vector.shape_cast %and3A : vector<256x1xi1> to vector<256x1xi1>
    %broadcast_in_dim3A_45 = vector.broadcast %broadcast_in_dim3A_44 : vector<256x1xi1> to vector<256x128xi1>
    %select_n3A_46 = arith.select %broadcast_in_dim3A_45, %max3A_33, %get3A_43 : vector<256x128xi1>, vector<256x128xf32>
    %swap3A_47 = arith.constant 0 : index
    %swap3A_48 = arith.constant 0 : index
    %swap3A_49 = vector.load %arg10[%swap3A_47, %swap3A_48] : memref<256x128xf32, #tpu.memory_space<vmem>>, vector<256x128xf32>
    tpu.vector_store %arg10[%swap3A_47, %swap3A_48], %select_n3A_46 {strides = array<i32>} : memref<256x128xf32, #tpu.memory_space<vmem>>, vector<256x128xf32>,
    return
  }
  func.func @transform_0(%arg0: i32, %arg1: memref<209xi32, #tpu.memory_space<smem>>, %arg2: memref<209xi32, #tpu.memory_space<smem>>, %arg3: memref<209xi32, #tpu.memory_space<smem>>, %arg4: memref<209xi32, #tpu.memory_space<smem>>) -> (i32, i32) {
    %get3A = arith.index_cast %arg0 : i32 to index
    %get3A_0 = memref.load %arg1[%get3A] : memref<209xi32, #tpu.memory_space<smem>>
    %c0_i32 = arith.constant 0 : i32
    %c0_i32_1 = arith.constant 0 : i32
    return %get3A_0, %c0_i32 : i32, i32
  }
  func.func @transform_1(%arg0: i32, %arg1: memref<209xi32, #tpu.memory_space<smem>>, %arg2: memref<209xi32, #tpu.memory_space<smem>>, %arg3: memref<209xi32, #tpu.memory_space<smem>>, %arg4: memref<209xi32, #tpu.memory_space<smem>>) -> (i32, i32) {
    %get3A = arith.index_cast %arg0 : i32 to index
    %get3A_0 = memref.load %arg1[%get3A] : memref<209xi32, #tpu.memory_space<smem>>
    %c0_i32 = arith.constant 0 : i32
    %c0_i32_1 = arith.constant 0 : i32
    return %get3A_0, %c0_i32 : i32, i32
  }
  func.func @transform_2(%arg0: i32, %arg1: memref<209xi32, #tpu.memory_space<smem>>, %arg2: memref<209xi32, #tpu.memory_space<smem>>, %arg3: memref<209xi32, #tpu.memory_space<smem>>, %arg4: memref<209xi32, #tpu.memory_space<smem>>) -> (i32, i32, i32) {
    %get3A = arith.index_cast %arg0 : i32 to index
    %get3A_0 = memref.load %arg2[%get3A] : memref<209xi32, #tpu.memory_space<smem>>
    %c0_i32 = arith.constant 0 : i32
    %c0_i32_1 = arith.constant 0 : i32
    %c0_i32_2 = arith.constant 0 : i32
    return %get3A_0, %c0_i32, %c0_i32_1 : i32, i32, i32
  }
  func.func @transform_3(%arg0: i32, %arg1: memref<209xi32, #tpu.memory_space<smem>>, %arg2: memref<209xi32, #tpu.memory_space<smem>>, %arg3: memref<209xi32, #tpu.memory_space<smem>>, %arg4: memref<209xi32, #tpu.memory_space<smem>>) -> (i32, i32, i32) {
    %get3A = arith.index_cast %arg0 : i32 to index
    %get3A_0 = memref.load %arg2[%get3A] : memref<209xi32, #tpu.memory_space<smem>>
    %c0_i32 = arith.constant 0 : i32
    %c0_i32_1 = arith.constant 0 : i32
    %c0_i32_2 = arith.constant 0 : i32
    return %get3A_0, %c0_i32, %c0_i32_1 : i32, i32, i32
  }
  func.func @transform_4(%arg0: i32, %arg1: memref<209xi32, #tpu.memory_space<smem>>, %arg2: memref<209xi32, #tpu.memory_space<smem>>, %arg3: memref<209xi32, #tpu.memory_space<smem>>, %arg4: memref<209xi32, #tpu.memory_space<smem>>) -> (i32, i32) {
    %get3A = arith.index_cast %arg0 : i32 to index
    %get3A_0 = memref.load %arg1[%get3A] : memref<209xi32, #tpu.memory_space<smem>>
    %c0_i32 = arith.constant 0 : i32
    %c0_i32_1 = arith.constant 0 : i32
    return %get3A_0, %c0_i32 : i32, i32
  }
  func.func @transform_5(%arg0: i32, %arg1: memref<209xi32, #tpu.memory_space<smem>>, %arg2: memref<209xi32, #tpu.memory_space<smem>>, %arg3: memref<209xi32, #tpu.memory_space<smem>>, %arg4: memref<209xi32, #tpu.memory_space<smem>>) -> (i32, i32) {
    %get3A = arith.index_cast %arg0 : i32 to index
    %get3A_0 = memref.load %arg1[%get3A] : memref<209xi32, #tpu.memory_space<smem>>
    %c0_i32 = arith.constant 0 : i32
    %c0_i32_1 = arith.constant 0 : i32
    return %get3A_0, %c0_i32 : i32, i32
  }
}

</mosaic_0001>

<sc_bundles>
// kernel: kernel.12.cloned.1.call-start
scs
__scs_entry_jumppad:
0x0: {  	(pc) =	sbr.rel $0x88, $3  }
0x1: {  	(tag) =	ssettag $0x0;
	lr =	simm.s32 $0x1  }
0x2: {  	[smem:$0x3F9C] =	sst lr;
	_ =	strace $0xD0000000  }
0x3: {  	_ = 	snop  }
0x4: {  	_ = 	snop  }
0x5: {  	_ = 	snop  }
0x6: {  	_ = 	snop  }
0x7: {  	_ = 	snop  }
__scs_overlays_trampoline_lowered:
0x8: {  	[smem:$0x3FAB] =	sst s0  }
0x9: {  	[smem:$0x3FAC] =	sst s1  }
0xa: {  	[smem:$0x3FAD] =	sst s2  }
0xb: {  	[smem:$0x3FAE] =	sst s3  }
0xc: {  	[smem:$0x3FAF] =	sst s4  }
0xd: {  	[smem:$0x3FB0] =	sst s5  }
0xe: {  	[smem:$0x3FB1] =	sst s6  }
0xf: {  	[smem:$0x3FB2] =	sst s7  }
0x10: {  	[smem:$0x3FB3] =	sst s8  }
0x11: {  	[smem:$0x3FB4] =	sst s9;
	s0 =	simm.s32 @!p0 $0x0  }
0x12: {  	s1 =	sld [smem:$0x3F9A];
	s0 =	simm.s32 @p0 $0x1  }
0x13: {  	[smem:$0x3FB5] =	sst s0;
	s0 =	simm.s32 @!p1 $0x0  }
0x14: {  	s2 =	sld [smem:$0x3F99];
	s0 =	simm.s32 @p1 $0x1  }
0x15: {  	[smem:$0x3FB6] =	sst s0;
	s0 =	simm.s32 @!p2 $0x0  }
0x16: {  	s3 =	sld [smem:$0x3FDB];
	s0 =	simm.s32 @p2 $0x1  }
0x17: {  	s4 =	simm.s32 $0x1BF5;
	[smem:$0x3FB8] =	sst s0  }
0x18: {  	s0 =	sld [smem:$0x3F9B];
	_ =	swait.ge [sflag:s4], $0x0  }
0x19: {  	s7 =	sld [smem:$0x3F9C]  }
0x1a: {  	s8 =	sadd.s32 $0xFFFFE003, lr  }
0x1b: {  	s9 =	sadd.s32 $0xFFFFFEF7, lr;
	s5 =	simm.s32 $0xFFFFFFFF;
	p2 =	slt.u32 s8, $0xFFFFF086  }
0x1c: {  	p1 =	slt.u32 s9, $0xF7A;
	s5 =	simm.s32 @!p2 $0x0  }
0x1d: {  	s5 =	simm.s32 @p1 $0x1;
	p0 =	seq.s32 s7, s2  }
0x1e: {  	s7 =	smul.u32 @!p0 $0xF7A, s2;
	p2 =	seq.s32 @!p0 s5, $0x0  }
0x1f: {  	s9 =	smul.u32 $0xF7A, s1;
	s8 =	simm.s32 @!p0 $0x1BF5;
	p2 =	por !p2, p0  }
0x20: {  	[sflag:s8] =	ssyncset.s32 @!p0 $0xFFFFF086;
	s6 =	sadd.s32 @!p0 s3, s7;
	s7 =	simm.s32 @!p0 $0x108  }
0x21: {  	s3 =	sadd.s32 s3, s9;
	s6 =	sadd.s32 @!p0 $0x88, s6;
	s7 =	simm.s32 @p2 $0x1082  }
0x22: {  	[simem:s7], [sflag:s8] =	dma.local @!p0 [hbm:s6], $0xF7A  }
0x23: {  	s9 =	sor.u32 $0xD0000000, s2;
	s6 =	simm.s32 $0x108;
	_ =	swait.ge @!p0 [sflag:s8], $0x0  }
0x24: {  	s3 =	sadd.s32 $0x88, s3;
	s6 =	simm.s32 @!p1 $0x1082;
	[sflag:s4] =	ssyncset.s32 $0xFFFFF086  }
0x25: {  	[simem:s6], [sflag:s4] =	dma.local [hbm:s3], $0xF7A  }
0x26: {  	[smem:$0x3F9C] =	sst s1;
	(tag) =	ssettag s2;
	_ =	strace s9  }
0x27: {  	s1 =	sld [smem:$0x3FAC]  }
0x28: {  	s2 =	sld [smem:$0x3FAD]  }
0x29: {  	s4 =	sld [smem:$0x3FAF]  }
0x2a: {  	p0 =	seq.s32 s5, $0x0;
	s5 =	sld [smem:$0x3FB0]  }
0x2b: {  	s6 =	sld [smem:$0x3FB1]  }
0x2c: {  	s7 =	sld [smem:$0x3FB2]  }
0x2d: {  	s3 =	simm.s32 $0x108;
	s8 =	sld [smem:$0x3FB3]  }
0x2e: {  	s3 =	simm.s32 @!p0 $0x1082;
	s9 =	sld [smem:$0x3FB4]  }
0x2f: {  	lr =	sadd.s32 s0, s3;
	s0 =	sld [smem:$0x3FAB]  }
0x30: {  	s3 =	sld [smem:$0x3FAE]  }
0x31: {  	[smem:$0x3FB7] =	sst s10  }
0x32: {  	s10 =	sld [smem:$0x3FB5];
	_ =	sdelay $0x3  }
0x33: {  	p0 =	seq.s32 s10, $0x1;
	s10 =	sld [smem:$0x3FB7];
	_ =	sdelay $0x3  }
0x34: {  	[smem:$0x3FB7] =	sst s10  }
0x35: {  	s10 =	sld [smem:$0x3FB6];
	_ =	sdelay $0x3  }
0x36: {  	p1 =	seq.s32 s10, $0x1;
	s10 =	sld [smem:$0x3FB7];
	_ =	sdelay $0x3  }
0x37: {  	[smem:$0x3FB7] =	sst s10  }
0x38: {  	s10 =	sld [smem:$0x3FB8]  }
0x39: {  	_ = 	snop;
	(pc) =	sbr.ind lr, $3  }
0x3a: {  	_ = 	snop  }
0x3b: {  	_ = 	snop  }
0x3c: {  	p2 =	seq.s32 s10, $0x1;
	s10 =	sld [smem:$0x3FB7]  }
0x3d: {  	_ =	shalt  }
0x3e: {  	_ =	shalt  }
0x3f: {  	_ =	shalt  }
0x40: {  	_ =	shalt  }
0x41: {  	_ =	shalt  }
0x42: {  	_ =	shalt  }
0x43: {  	_ =	shalt  }
0x44: {  	_ =	shalt  }
0x45: {  	_ =	shalt  }
0x46: {  	_ =	shalt  }
0x47: {  	_ =	shalt  }
0x48: {  	_ =	shalt  }
0x49: {  	_ =	shalt  }
0x4a: {  	_ =	shalt  }
0x4b: {  	_ =	shalt  }
0x4c: {  	_ =	shalt  }
0x4d: {  	_ =	shalt  }
0x4e: {  	_ =	shalt  }
0x4f: {  	_ =	shalt  }
0x50: {  	_ =	shalt  }
0x51: {  	_ =	shalt  }
0x52: {  	_ =	shalt  }
0x53: {  	_ =	shalt  }
0x54: {  	_ =	shalt  }
0x55: {  	_ =	shalt  }
0x56: {  	_ =	shalt  }
0x57: {  	_ =	shalt  }
0x58: {  	_ =	shalt  }
0x59: {  	_ =	shalt  }
0x5a: {  	_ =	shalt  }
0x5b: {  	_ =	shalt  }
0x5c: {  	_ =	shalt  }
0x5d: {  	_ =	shalt  }
0x5e: {  	_ =	shalt  }
0x5f: {  	_ =	shalt  }
0x60: {  	_ =	shalt  }
0x61: {  	_ =	shalt  }
0x62: {  	_ =	shalt  }
0x63: {  	_ =	shalt  }
0x64: {  	_ =	shalt  }
0x65: {  	_ =	shalt  }
0x66: {  	_ =	shalt  }
0x67: {  	_ =	shalt  }
0x68: {  	_ =	shalt  }
0x69: {  	_ =	shalt  }
0x6a: {  	_ =	shalt  }
0x6b: {  	_ =	shalt  }
0x6c: {  	_ =	shalt  }
0x6d: {  	_ =	shalt  }
0x6e: {  	_ =	shalt  }
0x6f: {  	_ =	shalt  }
0x70: {  	_ =	shalt  }
0x71: {  	_ =	shalt  }
0x72: {  	_ =	shalt  }
0x73: {  	_ =	shalt  }
0x74: {  	_ =	shalt  }
0x75: {  	_ =	shalt  }
0x76: {  	_ =	shalt  }
0x77: {  	_ =	shalt  }
0x78: {  	_ =	shalt  }
0x79: {  	_ =	shalt  }
0x7a: {  	_ =	shalt  }
0x7b: {  	_ =	shalt  }
0x7c: {  	_ =	shalt  }
0x7d: {  	_ =	shalt  }
0x7e: {  	_ =	shalt  }
0x7f: {  	_ =	shalt  }
0x80: {  	_ =	shalt  }
0x81: {  	_ =	shalt  }
0x82: {  	_ =	shalt  }
0x83: {  	_ =	shalt  }
0x84: {  	_ =	shalt  }
0x85: {  	_ =	shalt  }
0x86: {  	_ =	shalt  }
0x87: {  	_ =	shalt  }
.Lfunc_end0:
.L_simem_size_0:
called_computation.2_lowered:
.L_overlay_start_0:
0x88: {  	s2 =	sld [smem:$0x3FD9]  }
0x89: {  	s3 =	sld [smem:$0x3FFE];
	_ =	sdelay $0x1  }
0x8a: {  	s1 =	srdreg.scid  }
0x8b: {  	s0 =	sand.u32 $0x1, s1  }
0x8c: {  	s17 =	sshll.u32 s0, $0xA;
	s2 =	sadd.s32 s3, s2  }
0x8d: {  	s2 =	sadd.s32 s2, s17  }
0x8e: {  	[smem:$0x3FC3] =	sst s2  }
0x8f: {  	_ = 	snop  }
0x90: {  	s2 =	sld [smem:$0x3FD0];
	(tm) =	ssettm $0x1  }
0x91: {  	s18 =	sld [smem:$0x3FFB];
	_ =	sdelay $0x3  }
0x92: {  	_ =	strace s18  }
0x93: {  	s3 =	sld [smem:$0x3FFC];
	_ =	sdelay $0x3  }
0x94: {  	_ =	strace s3  }
0x95: {  	s3 =	sld [smem:$0x3FFD];
	_ =	sdelay $0x3  }
0x96: {  	_ =	strace s3  }
0x97: {  	_ =	strace $0x8FFFFFFF  }
0x98: {  	s19 =	sld [smem:$0x3FDB];
	_ =	sdelay $0x1  }
0x99: {  	s4 =	simm.s32 $_scs_section_size  }
0x9a: {  	s5 =	simm.s32 $_size__tile_overlayer_lowered;
	s6 =	simm.s32 $_tile_overlayer_lowered  }
0x9b: {  	s22 =	simm.s32 $0x1BFF;
	s21 =	sshll.u32 s6, $0x1;
	s3 =	sadd.s32 s4, s19  }
0x9c: {  	s7 =	simm.s32 $0x0;
	s20 =	sshll.u32 s5, $0x1;
	s5 =	sadd.s32 s21, s3  }
0x9d: {  	[timem:s7], [sflag:s22] =	dma.local [hbm:s5], s20  }
0x9e: {  	_ =	swait.ge [sflag:s22], s20  }
0x9f: {  	s4 =	ssub.s32 $0x0, s20;
	[sflag:s22] =	ssyncset.done $0x0  }
0xa0: {  	[sflag:s22] =	ssyncadd.s32 s4;
	_ =	sdelay $0x1  }
0xa1: {  	s23 =	simm.s32 $0x1B8B  }
0xa2: {  	_ =	swait.ge [sflag:s23], $0x1  }
0xa3: {  	[sflag:s23] =	ssyncset.done $0x0  }
0xa4: {  	s25 =	simm.s32 $0x1B8E;
	s24 =	sld [smem:$0x3FFE];
	[sflag:s23] =	ssyncadd.s32 $0xFFFFFFFF  }
0xa5: {  	s26 =	simm.s32 $execute0_lowered;
	[smem:$0x3FD2] =	sst s25  }
0xa6: {  	s5 =	sshll.u32 s26, $0x1;
	_ =	strace $0x8000004C;
	[dreg:$0x1] =	wrdreg $0xFFFFFFFF  }
0xa7: {  	s28 =	simm.s32 $_size_execute0_lowered;
	s3 =	sadd.s32 s3, s5;
	[dreg:$0x0] =	wrdreg $0x0  }
0xa8: {  	s5 =	sshll.u32 s28, $0x1;
	[dreg:$0x2] =	wrdreg s3  }
0xa9: {  	[dreg:$0x3] =	wrdreg s5  }
0xaa: {  	[dreg:$0x4] =	wrdreg $0xC0  }
0xab: {  	_ =	task [dreg:s7], $0x5FFFF  }
0xac: {  	[dreg:$0x1] =	wrdreg $0xFFFFFFFF  }
0xad: {  	[dreg:$0x0] =	wrdreg $0x60  }
0xae: {  	[dreg:$0x2] =	wrdreg s24  }
0xaf: {  	[dreg:$0x3] =	wrdreg s2  }
0xb0: {  	[dreg:$0x4] =	wrdreg $0x9  }
0xb1: {  	_ =	task.clear_ibuf [dreg:s7], $0x5FFFF;
	_ =	strace $0x9000004C  }
0xb2: {  	s29 =	simm.s32 $0x9;
	_ =	strace $0x8000004E  }
0xb3: {  	_ =	swait.ge [sflag:s29], $0x1  }
0xb4: {  	[sflag:s29] =	ssyncadd.s32 $0xFFFFFFFF  }
0xb5: {  	_ =	strace $0x9000004E  }
0xb6: {  	_ =	sfence  }
0xb7: {  	s30 =	sld [smem:$0x0];
	_ =	sdelay $0x2  }
0xb8: {  	s31 =	sshll.u32 s1, $0xD;
	s1 =	sshrl.u32 s1, $0x2  }
0xb9: {  	s3 =	sand.u32 $0x4000, s31;
	s1 =	sadd.s32 s1, s30  }
0xba: {  	s0 =	sor.u32 s3, s0;
	s1 =	sshll.u32 s1, $0x11  }
0xbb: {  	s0 =	sor.u32 s1, s0  }
0xbc: {  	s0 =	sadd.s32 $0x8F2B, s0  }
0xbd: {  	[sflag:s0] =	ssyncadd.remote.s32 $0x1  }
0xbe: {  	_ =	sfence.sel $0xFFFF  }
0xbf: {  	[dreg:$0x0] =	wrdreg $0xFFFFFFFF;
	(pc) =	sbr.abs _section_cstart, $3  }
0xc0: {  	[dreg:$0x1] =	wrdreg $0xFFFFFFFF  }
0xc1: {  	_ =	task.clear_ibuf [dreg:s7], $0x2FFFF;
	_ =	strace $0x9FFFFFFF  }
0xc2: {  	(tm) =	ssettm $0x7FFFFFFF  }
0xc3: {  	_ =	shalt  }
tec
execute0_lowered:
.L_overlay_start_1:
0x0: {  	(tag) =	ssettag $0x1  }
0x1: {  	s1 =	srdreg.scid;
	s0 =	stileid.u32  }
0x2: {  	s25 =	sand.u32 $0x1, s1;
	s31 =	sshll.u32 s0, $0x1  }
0x3: {  	s18 =	sor.u32 s25, s31  }
0x4: {  	s8 =	rddreg [dreg:$0x0];
	s3 =	smul.u32 $0x28, s18  }
0x5: {  	s19 =	rddreg [dreg:$0x1];
	s2 =	simm.s32 $0x0  }
0x6: {  	s4 =	simm.s32 $0x2;
	[smem:$0x7FF] =	sst s2;
	s3 =	sadd.s32 s3, s8  }
0x7: {  	s1 =	rddreg [dreg:$0x2];
	_ =	strace $0x8000004D;
	s3 =	sadd.s32 $0xC00, s3  }
0x8: {  	[tilespmem:s2], [sflag:$0x2] =	stream.linear.gather [hbm4b:s3+s2], $0x140, $0x38;
	[tilespmem:$0x14180] =	vst v63  }
0x9: {  	_ =	swait.ge [sflag:s4], $0x140  }
0xa: {  	s6 =	simm.s32 $0x50;
	[sflag:s4] =	ssyncset.done $0x0  }
0xb: {  	s7 =	simm.s32 $0x180;
	s5 =	sadd.s32 $0x1200, s8;
	[sflag:s4] =	ssyncadd.s32 $0xFFFFFEC0  }
0xc: {  	[tilespmem:s7], [sflag:$0x1] =	stream.indirect.gather [hbm4b:s5+s6], $0x80, s2, s6, $0xb8;
	[tilespmem:$0x14180] =	vst v63  }
0xd: {  	s9 =	simm.s32 $0xA180;
	s10 =	simm.s32 $0x1;
	s8 =	sadd.s32 $0x29200, s8  }
0xe: {  	[tilespmem:s9], [sflag:$0x1] =	stream.indirect.gather [hbm4b:s8+s6], $0x80, s2, s6, $0xb8;
	[tilespmem:$0x14180] =	vst v63  }
0xf: {  	_ =	swait.ge [sflag:s10], $0x2800  }
0x10: {  	[sflag:s10] =	ssyncset.done $0x0  }
0x11: {  	s11 =	smul.u32 $0xA000, s18;
	[sflag:s10] =	ssyncadd.s32 $0xFFFFD800  }
0x12: {  	_ =	swait.ge [sflag:s10], $0x2800  }
0x13: {  	s11 =	sshrl.u32 s11, $0x3;
	[sflag:s10] =	ssyncset.done $0x0  }
0x14: {  	s11 =	sadd.s32 s19, s11;
	[sflag:s10] =	ssyncadd.s32 $0xFFFFD800  }
0x15: {  	[hbm4b:s11+s2] =	stream.linear.scatter [tilespmem:s7], [sflag:$0x2], $0x2800, $0x38;
	[tilespmem:$0x14180] =	vst v63  }
0x16: {  	_ =	swait.ge [sflag:s4], $0x2800  }
0x17: {  	[sflag:s4] =	ssyncset.done $0x0  }
0x18: {  	s12 =	sadd.s32 $0x27100, s11;
	[sflag:s4] =	ssyncadd.s32 $0xFFFFD800  }
0x19: {  	[hbm4b:s12+s2] =	stream.linear.scatter [tilespmem:s9], [sflag:$0x2], $0x2800, $0x38;
	[tilespmem:$0x14180] =	vst v63  }
0x1a: {  	p0 =	seq.s32 s18, $0x1F;
	_ =	swait.ge [sflag:s4], $0x2800  }
0x1b: {  	s13 =	simm.s32 @!p0 $0x2980;
	[sflag:s4] =	ssyncset.done $0x0  }
0x1c: {  	s14 =	simm.s32 @!p0 $0x78;
	s15 =	simm.s32 @!p0 $0x50;
	[sflag:s4] =	ssyncadd.s32 $0xFFFFD800  }
0x1d: {  	[tilespmem:s13], [sflag:$0x1] =	stream.indirect.gather @!p0 [hbm4b:s5+s14], $0x80, s15, s14, $0xb8;
	[tilespmem:$0x14180] =	vst v63  }
0x1e: {  	s16 =	simm.s32 @!p0 $0xC980;
	s17 =	simm.s32 @!p0 $0x1  }
0x1f: {  	[tilespmem:s16], [sflag:$0x1] =	stream.indirect.gather @!p0 [hbm4b:s8+s14], $0x80, s15, s14, $0xb8;
	[tilespmem:$0x14180] =	vst v63  }
0x20: {  	_ =	swait.ge @!p0 [sflag:s17], $0x3C00  }
0x21: {  	[sflag:s17] =	ssyncset.done @!p0 $0x0  }
0x22: {  	s18 =	smul.u32 $0x1400, s18;
	[sflag:s17] =	ssyncadd.s32 @!p0 $0xFFFFC400  }
0x23: {  	_ =	swait.ge @!p0 [sflag:s17], $0x3C00  }
0x24: {  	s20 =	simm.s32 @!p0 $0x0;
	s26 =	sadd.s32 s18, s19;
	[sflag:s17] =	ssyncset.done @!p0 $0x0  }
0x25: {  	s18 =	simm.s32 @!p0 $0x2;
	s19 =	sadd.s32 $0x500, s26;
	[sflag:s17] =	ssyncadd.s32 @!p0 $0xFFFFC400  }
0x26: {  	[hbm4b:s19+s20] =	stream.linear.scatter @!p0 [tilespmem:s13], [sflag:$0x2], $0x3C00, $0x38;
	[tilespmem:$0x14180] =	vst v63  }
0x27: {  	_ =	swait.ge @!p0 [sflag:s18], $0x3C00  }
0x28: {  	[sflag:s18] =	ssyncset.done @!p0 $0x0  }
0x29: {  	s21 =	sadd.s32 $0x27600, s26;
	[sflag:s18] =	ssyncadd.s32 @!p0 $0xFFFFC400  }
0x2a: {  	[hbm4b:s21+s20] =	stream.linear.scatter @!p0 [tilespmem:s16], [sflag:$0x2], $0x3C00, $0x38;
	[tilespmem:$0x14180] =	vst v63  }
0x2b: {  	_ =	swait.ge @!p0 [sflag:s18], $0x3C00  }
0x2c: {  	[sflag:s18] =	ssyncset.done @!p0 $0x0  }
0x2d: {  	s22 =	simm.s32 @!p0 $0xC8;
	s23 =	simm.s32 @!p0 $0x6580;
	[sflag:s18] =	ssyncadd.s32 @!p0 $0xFFFFC400  }
0x2e: {  	[tilespmem:s23], [sflag:$0x1] =	stream.indirect.gather @!p0 [hbm4b:s5+s14], $0x80, s22, s14, $0xb8;
	[tilespmem:$0x14180] =	vst v63  }
0x2f: {  	s24 =	simm.s32 @!p0 $0x10580  }
0x30: {  	[tilespmem:s24], [sflag:$0x1] =	stream.indirect.gather @!p0 [hbm4b:s8+s14], $0x80, s22, s14, $0xb8;
	[tilespmem:$0x14180] =	vst v63  }
0x31: {  	_ =	swait.ge @!p0 [sflag:s17], $0x3C00  }
0x32: {  	s28 =	ssub.s32 $0x2, s25;
	[sflag:s17] =	ssyncset.done @!p0 $0x0  }
0x33: {  	s29 =	sshrl.u32 s28, $0x1;
	[sflag:s17] =	ssyncadd.s32 @!p0 $0xFFFFC400  }
0x34: {  	s28 =	ssub.s32 s28, s29;
	_ =	swait.ge @!p0 [sflag:s17], $0x3C00  }
0x35: {  	s28 =	smax.u32 s28, $0x1;
	[sflag:s17] =	ssyncset.done @!p0 $0x0  }
0x36: {  	s25 =	sadd.s32 $0xC80, s26;
	s28 =	sadd.s32 $0xFFFFFFFF, s28;
	[sflag:s17] =	ssyncadd.s32 @!p0 $0xFFFFC400  }
0x37: {  	[hbm4b:s25+s20] =	stream.linear.scatter @!p0 [tilespmem:s23], [sflag:$0x2], $0x3C00, $0x38;
	[tilespmem:$0x14180] =	vst v63  }
0x38: {  	p1 =	sne.s32 s28, $0x0;
	_ =	swait.ge @!p0 [sflag:s18], $0x3C00  }
.Ltmp0:
0x39: {  	[sflag:s18] =	ssyncset.done @!p0 $0x0;
	(pc) =	sbr.rel @!p1 .LBB2_2-.Ltmp0, $4  }
0x3a: {  	s26 =	sadd.s32 $0x27D80, s26;
	[sflag:s18] =	ssyncadd.s32 @!p0 $0xFFFFC400  }
0x3b: {  	[hbm4b:s26+s20] =	stream.linear.scatter @!p0 [tilespmem:s24], [sflag:$0x2], $0x3C00, $0x38;
	[tilespmem:$0x14180] =	vst v63  }
0x3c: {  	_ =	swait.ge @!p0 [sflag:s18], $0x3C00  }
0x3d: {  	[sflag:s18] =	ssyncset.done @!p0 $0x0  }
.LBB2_1:
0x3e: {  	s28 =	sadd.s32 $0xFFFFFFFF, s28;
	[sflag:s18] =	ssyncadd.s32 @!p0 $0xFFFFC400  }
0x3f: {  	[tilespmem:s2], [sflag:$0x2] =	stream.linear.gather [hbm4b:s3+s2], $0x140, $0x38;
	[tilespmem:$0x14180] =	vst v63  }
0x40: {  	p1 =	sne.s32 s28, $0x0;
	_ =	swait.ge [sflag:s4], $0x140  }
0x41: {  	[sflag:s4] =	ssyncset.done $0x0  }
0x42: {  	[sflag:s4] =	ssyncadd.s32 $0xFFFFFEC0  }
0x43: {  	[tilespmem:s7], [sflag:$0x1] =	stream.indirect.gather [hbm4b:s5+s6], $0x80, s2, s6, $0xb8;
	[tilespmem:$0x14180] =	vst v63  }
0x44: {  	_ = 	snop  }
0x45: {  	[tilespmem:s9], [sflag:$0x1] =	stream.indirect.gather [hbm4b:s8+s6], $0x80, s2, s6, $0xb8;
	[tilespmem:$0x14180] =	vst v63  }
0x46: {  	_ =	swait.ge [sflag:s10], $0x2800  }
0x47: {  	[sflag:s10] =	ssyncset.done $0x0  }
0x48: {  	[sflag:s10] =	ssyncadd.s32 $0xFFFFD800  }
0x49: {  	_ =	swait.ge [sflag:s10], $0x2800  }
0x4a: {  	[sflag:s10] =	ssyncset.done $0x0  }
0x4b: {  	[sflag:s10] =	ssyncadd.s32 $0xFFFFD800  }
0x4c: {  	[hbm4b:s11+s2] =	stream.linear.scatter [tilespmem:s7], [sflag:$0x2], $0x2800, $0x38;
	[tilespmem:$0x14180] =	vst v63  }
0x4d: {  	_ =	swait.ge [sflag:s4], $0x2800  }
0x4e: {  	[sflag:s4] =	ssyncset.done $0x0  }
0x4f: {  	[sflag:s4] =	ssyncadd.s32 $0xFFFFD800  }
0x50: {  	[hbm4b:s12+s2] =	stream.linear.scatter [tilespmem:s9], [sflag:$0x2], $0x2800, $0x38;
	[tilespmem:$0x14180] =	vst v63  }
0x51: {  	_ =	swait.ge [sflag:s4], $0x2800  }
0x52: {  	[sflag:s4] =	ssyncset.done $0x0  }
0x53: {  	[sflag:s4] =	ssyncadd.s32 $0xFFFFD800  }
0x54: {  	[tilespmem:s13], [sflag:$0x1] =	stream.indirect.gather @!p0 [hbm4b:s5+s14], $0x80, s15, s14, $0xb8;
	[tilespmem:$0x14180] =	vst v63  }
0x55: {  	_ = 	snop  }
0x56: {  	[tilespmem:s16], [sflag:$0x1] =	stream.indirect.gather @!p0 [hbm4b:s8+s14], $0x80, s15, s14, $0xb8;
	[tilespmem:$0x14180] =	vst v63  }
0x57: {  	_ =	swait.ge @!p0 [sflag:s17], $0x3C00  }
0x58: {  	[sflag:s17] =	ssyncset.done @!p0 $0x0  }
0x59: {  	[sflag:s17] =	ssyncadd.s32 @!p0 $0xFFFFC400  }
0x5a: {  	_ =	swait.ge @!p0 [sflag:s17], $0x3C00  }
0x5b: {  	[sflag:s17] =	ssyncset.done @!p0 $0x0  }
0x5c: {  	[sflag:s17] =	ssyncadd.s32 @!p0 $0xFFFFC400  }
0x5d: {  	[hbm4b:s19+s20] =	stream.linear.scatter @!p0 [tilespmem:s13], [sflag:$0x2], $0x3C00, $0x38;
	[tilespmem:$0x14180] =	vst v63  }
0x5e: {  	_ =	swait.ge @!p0 [sflag:s18], $0x3C00  }
0x5f: {  	[sflag:s18] =	ssyncset.done @!p0 $0x0  }
0x60: {  	[sflag:s18] =	ssyncadd.s32 @!p0 $0xFFFFC400  }
0x61: {  	[hbm4b:s21+s20] =	stream.linear.scatter @!p0 [tilespmem:s16], [sflag:$0x2], $0x3C00, $0x38;
	[tilespmem:$0x14180] =	vst v63  }
0x62: {  	_ =	swait.ge @!p0 [sflag:s18], $0x3C00  }
0x63: {  	[sflag:s18] =	ssyncset.done @!p0 $0x0  }
0x64: {  	[sflag:s18] =	ssyncadd.s32 @!p0 $0xFFFFC400  }
0x65: {  	[tilespmem:s23], [sflag:$0x1] =	stream.indirect.gather @!p0 [hbm4b:s5+s14], $0x80, s22, s14, $0xb8;
	[tilespmem:$0x14180] =	vst v63  }
0x66: {  	_ = 	snop  }
0x67: {  	[tilespmem:s24], [sflag:$0x1] =	stream.indirect.gather @!p0 [hbm4b:s8+s14], $0x80, s22, s14, $0xb8;
	[tilespmem:$0x14180] =	vst v63  }
0x68: {  	_ =	swait.ge @!p0 [sflag:s17], $0x3C00  }
0x69: {  	[sflag:s17] =	ssyncset.done @!p0 $0x0  }
0x6a: {  	[sflag:s17] =	ssyncadd.s32 @!p0 $0xFFFFC400  }
0x6b: {  	_ =	swait.ge @!p0 [sflag:s17], $0x3C00  }
0x6c: {  	[sflag:s17] =	ssyncset.done @!p0 $0x0  }
0x6d: {  	[sflag:s17] =	ssyncadd.s32 @!p0 $0xFFFFC400  }
0x6e: {  	[hbm4b:s25+s20] =	stream.linear.scatter @!p0 [tilespmem:s23], [sflag:$0x2], $0x3C00, $0x38;
	[tilespmem:$0x14180] =	vst v63  }
0x6f: {  	_ =	swait.ge @!p0 [sflag:s18], $0x3C00  }
.Ltmp1:
0x70: {  	[sflag:s18] =	ssyncset.done @!p0 $0x0;
	(pc) =	sbr.rel @p1 .LBB2_1-.Ltmp1, $4  }
0x71: {  	[sflag:s18] =	ssyncadd.s32 @!p0 $0xFFFFC400  }
0x72: {  	[hbm4b:s26+s20] =	stream.linear.scatter @!p0 [tilespmem:s24], [sflag:$0x2], $0x3C00, $0x38;
	[tilespmem:$0x14180] =	vst v63  }
0x73: {  	_ =	swait.ge @!p0 [sflag:s18], $0x3C00  }
0x74: {  	[sflag:s18] =	ssyncset.done @!p0 $0x0  }
.LBB2_2:
0x75: {  	[sflag:s18] =	ssyncadd.s32 @!p0 $0xFFFFC400  }
0x76: {  	_ =	sfence.sel $0x180000  }
0x77: {  	[bflag:$0x0] =	sbarrier.arrive $0xFFFF  }
0x78: {  	p0 =	sne.s32 s0, $0x0;
	_ =	strace $0x9000004D  }
0x79: {  	s0 =	sadd.s32 @!p0 $0x100000, s1;
	[bflag:$0x2] =	sbarrier.arrive $0xFFFF  }
0x7a: {  	[sflag:s0] =	ssyncadd.tile.s32 @!p0 $0x1;
	_ =	shalt  }
.Lfunc_end2:
_tile_overlayer_lowered:
.L_overlay_start_2:
0x7b: {  	(tag) =	ssettag $0x2  }
0x7c: {  	s0 =	rddreg [dreg:$0x0];
	s2 =	stileid.u32  }
0x7d: {  	s1 =	rddreg [dreg:$0x1];
	p0 =	sne.s32 s2, $0x0  }
0x7e: {  	s3 =	rddreg [dreg:$0x2];
	[bflag:$0x3] =	sbarrier.arrive $0xFFFF;
	s2 =	simm.s32 @!p0 $0x1C02  }
0x7f: {  	[timem:s3], [sflag:s2] =	dma.local @!p0 [hbm:s0], s1  }
0x80: {  	s0 =	simm.s32 @!p0 $0x2  }
0x81: {  	_ =	swait.ge @!p0 [sflag:s0], s1  }
0x82: {  	s1 =	ssub.s32 @!p0 $0x0, s1;
	[sflag:s0] =	ssyncset.done @!p0 $0x0  }
0x83: {  	[sflag:s0] =	ssyncadd.s32 @!p0 s1  }
0x84: {  	[bflag:$0x3] =	sbarrier.arrive $0xFFFF  }
0x85: {  	_ =	shalt  }

// kernel: kernel.6.cloned.1.call-start
scs
__scs_entry_jumppad:
0x0: {  	(pc) =	sbr.rel $0x88, $3  }
0x1: {  	(tag) =	ssettag $0x0;
	lr =	simm.s32 $0x1  }
0x2: {  	[smem:$0x3F9C] =	sst lr;
	_ =	strace $0xD0000000  }
0x3: {  	_ = 	snop  }
0x4: {  	_ = 	snop  }
0x5: {  	_ = 	snop  }
0x6: {  	_ = 	snop  }
0x7: {  	_ = 	snop  }
__scs_overlays_trampoline_lowered:
0x8: {  	[smem:$0x3FAB] =	sst s0  }
0x9: {  	[smem:$0x3FAC] =	sst s1  }
0xa: {  	[smem:$0x3FAD] =	sst s2  }
0xb: {  	[smem:$0x3FAE] =	sst s3  }
0xc: {  	[smem:$0x3FAF] =	sst s4  }
0xd: {  	[smem:$0x3FB0] =	sst s5  }
0xe: {  	[smem:$0x3FB1] =	sst s6  }
0xf: {  	[smem:$0x3FB2] =	sst s7  }
0x10: {  	[smem:$0x3FB3] =	sst s8  }
0x11: {  	[smem:$0x3FB4] =	sst s9;
	s0 =	simm.s32 @!p0 $0x0  }
0x12: {  	s1 =	sld [smem:$0x3F9A];
	s0 =	simm.s32 @p0 $0x1  }
0x13: {  	[smem:$0x3FB5] =	sst s0;
	s0 =	simm.s32 @!p1 $0x0  }
0x14: {  	s2 =	sld [smem:$0x3F99];
	s0 =	simm.s32 @p1 $0x1  }
0x15: {  	[smem:$0x3FB6] =	sst s0;
	s0 =	simm.s32 @!p2 $0x0  }
0x16: {  	s3 =	sld [smem:$0x3FDB];
	s0 =	simm.s32 @p2 $0x1  }
0x17: {  	s4 =	simm.s32 $0x1BF5;
	[smem:$0x3FB8] =	sst s0  }
0x18: {  	s0 =	sld [smem:$0x3F9B];
	_ =	swait.ge [sflag:s4], $0x0  }
0x19: {  	s7 =	sld [smem:$0x3F9C]  }
0x1a: {  	s8 =	sadd.s32 $0xFFFFE003, lr  }
0x1b: {  	s9 =	sadd.s32 $0xFFFFFEF7, lr;
	s5 =	simm.s32 $0xFFFFFFFF;
	p2 =	slt.u32 s8, $0xFFFFF086  }
0x1c: {  	p1 =	slt.u32 s9, $0xF7A;
	s5 =	simm.s32 @!p2 $0x0  }
0x1d: {  	s5 =	simm.s32 @p1 $0x1;
	p0 =	seq.s32 s7, s2  }
0x1e: {  	s7 =	smul.u32 @!p0 $0xF7A, s2;
	p2 =	seq.s32 @!p0 s5, $0x0  }
0x1f: {  	s9 =	smul.u32 $0xF7A, s1;
	s8 =	simm.s32 @!p0 $0x1BF5;
	p2 =	por !p2, p0  }
0x20: {  	[sflag:s8] =	ssyncset.s32 @!p0 $0xFFFFF086;
	s6 =	sadd.s32 @!p0 s3, s7;
	s7 =	simm.s32 @!p0 $0x108  }
0x21: {  	s3 =	sadd.s32 s3, s9;
	s6 =	sadd.s32 @!p0 $0x88, s6;
	s7 =	simm.s32 @p2 $0x1082  }
0x22: {  	[simem:s7], [sflag:s8] =	dma.local @!p0 [hbm:s6], $0xF7A  }
0x23: {  	s9 =	sor.u32 $0xD0000000, s2;
	s6 =	simm.s32 $0x108;
	_ =	swait.ge @!p0 [sflag:s8], $0x0  }
0x24: {  	s3 =	sadd.s32 $0x88, s3;
	s6 =	simm.s32 @!p1 $0x1082;
	[sflag:s4] =	ssyncset.s32 $0xFFFFF086  }
0x25: {  	[simem:s6], [sflag:s4] =	dma.local [hbm:s3], $0xF7A  }
0x26: {  	[smem:$0x3F9C] =	sst s1;
	(tag) =	ssettag s2;
	_ =	strace s9  }
0x27: {  	s1 =	sld [smem:$0x3FAC]  }
0x28: {  	s2 =	sld [smem:$0x3FAD]  }
0x29: {  	s4 =	sld [smem:$0x3FAF]  }
0x2a: {  	p0 =	seq.s32 s5, $0x0;
	s5 =	sld [smem:$0x3FB0]  }
0x2b: {  	s6 =	sld [smem:$0x3FB1]  }
0x2c: {  	s7 =	sld [smem:$0x3FB2]  }
0x2d: {  	s3 =	simm.s32 $0x108;
	s8 =	sld [smem:$0x3FB3]  }
0x2e: {  	s3 =	simm.s32 @!p0 $0x1082;
	s9 =	sld [smem:$0x3FB4]  }
0x2f: {  	lr =	sadd.s32 s0, s3;
	s0 =	sld [smem:$0x3FAB]  }
0x30: {  	s3 =	sld [smem:$0x3FAE]  }
0x31: {  	[smem:$0x3FB7] =	sst s10  }
0x32: {  	s10 =	sld [smem:$0x3FB5];
	_ =	sdelay $0x3  }
0x33: {  	p0 =	seq.s32 s10, $0x1;
	s10 =	sld [smem:$0x3FB7];
	_ =	sdelay $0x3  }
0x34: {  	[smem:$0x3FB7] =	sst s10  }
0x35: {  	s10 =	sld [smem:$0x3FB6];
	_ =	sdelay $0x3  }
0x36: {  	p1 =	seq.s32 s10, $0x1;
	s10 =	sld [smem:$0x3FB7];
	_ =	sdelay $0x3  }
0x37: {  	[smem:$0x3FB7] =	sst s10  }
0x38: {  	s10 =	sld [smem:$0x3FB8]  }
0x39: {  	_ = 	snop;
	(pc) =	sbr.ind lr, $3  }
0x3a: {  	_ = 	snop  }
0x3b: {  	_ = 	snop  }
0x3c: {  	p2 =	seq.s32 s10, $0x1;
	s10 =	sld [smem:$0x3FB7]  }
0x3d: {  	_ =	shalt  }
0x3e: {  	_ =	shalt  }
0x3f: {  	_ =	shalt  }
0x40: {  	_ =	shalt  }
0x41: {  	_ =	shalt  }
0x42: {  	_ =	shalt  }
0x43: {  	_ =	shalt  }
0x44: {  	_ =	shalt  }
0x45: {  	_ =	shalt  }
0x46: {  	_ =	shalt  }
0x47: {  	_ =	shalt  }
0x48: {  	_ =	shalt  }
0x49: {  	_ =	shalt  }
0x4a: {  	_ =	shalt  }
0x4b: {  	_ =	shalt  }
0x4c: {  	_ =	shalt  }
0x4d: {  	_ =	shalt  }
0x4e: {  	_ =	shalt  }
0x4f: {  	_ =	shalt  }
0x50: {  	_ =	shalt  }
0x51: {  	_ =	shalt  }
0x52: {  	_ =	shalt  }
0x53: {  	_ =	shalt  }
0x54: {  	_ =	shalt  }
0x55: {  	_ =	shalt  }
0x56: {  	_ =	shalt  }
0x57: {  	_ =	shalt  }
0x58: {  	_ =	shalt  }
0x59: {  	_ =	shalt  }
0x5a: {  	_ =	shalt  }
0x5b: {  	_ =	shalt  }
0x5c: {  	_ =	shalt  }
0x5d: {  	_ =	shalt  }
0x5e: {  	_ =	shalt  }
0x5f: {  	_ =	shalt  }
0x60: {  	_ =	shalt  }
0x61: {  	_ =	shalt  }
0x62: {  	_ =	shalt  }
0x63: {  	_ =	shalt  }
0x64: {  	_ =	shalt  }
0x65: {  	_ =	shalt  }
0x66: {  	_ =	shalt  }
0x67: {  	_ =	shalt  }
0x68: {  	_ =	shalt  }
0x69: {  	_ =	shalt  }
0x6a: {  	_ =	shalt  }
0x6b: {  	_ =	shalt  }
0x6c: {  	_ =	shalt  }
0x6d: {  	_ =	shalt  }
0x6e: {  	_ =	shalt  }
0x6f: {  	_ =	shalt  }
0x70: {  	_ =	shalt  }
0x71: {  	_ =	shalt  }
0x72: {  	_ =	shalt  }
0x73: {  	_ =	shalt  }
0x74: {  	_ =	shalt  }
0x75: {  	_ =	shalt  }
0x76: {  	_ =	shalt  }
0x77: {  	_ =	shalt  }
0x78: {  	_ =	shalt  }
0x79: {  	_ =	shalt  }
0x7a: {  	_ =	shalt  }
0x7b: {  	_ =	shalt  }
0x7c: {  	_ =	shalt  }
0x7d: {  	_ =	shalt  }
0x7e: {  	_ =	shalt  }
0x7f: {  	_ =	shalt  }
0x80: {  	_ =	shalt  }
0x81: {  	_ =	shalt  }
0x82: {  	_ =	shalt  }
0x83: {  	_ =	shalt  }
0x84: {  	_ =	shalt  }
0x85: {  	_ =	shalt  }
0x86: {  	_ =	shalt  }
0x87: {  	_ =	shalt  }
.Lfunc_end0:
.L_simem_size_0:
called_computation_lowered:
.L_overlay_start_0:
0x88: {  	s2 =	sld [smem:$0x3FD9]  }
0x89: {  	s3 =	sld [smem:$0x3FFE];
	_ =	sdelay $0x1  }
0x8a: {  	s1 =	srdreg.scid  }
0x8b: {  	s0 =	sand.u32 $0x1, s1  }
0x8c: {  	s17 =	sshll.u32 s0, $0xA;
	s2 =	sadd.s32 s3, s2  }
0x8d: {  	s2 =	sadd.s32 s2, s17  }
0x8e: {  	[smem:$0x3FC3] =	sst s2  }
0x8f: {  	_ = 	snop  }
0x90: {  	s2 =	sld [smem:$0x3FD0];
	(tm) =	ssettm $0x1  }
0x91: {  	s18 =	sld [smem:$0x3FFB];
	_ =	sdelay $0x3  }
0x92: {  	_ =	strace s18  }
0x93: {  	s3 =	sld [smem:$0x3FFC];
	_ =	sdelay $0x3  }
0x94: {  	_ =	strace s3  }
0x95: {  	s3 =	sld [smem:$0x3FFD];
	_ =	sdelay $0x3  }
0x96: {  	_ =	strace s3  }
0x97: {  	_ =	strace $0x8FFFFFFF  }
0x98: {  	s19 =	sld [smem:$0x3FDB];
	_ =	sdelay $0x1  }
0x99: {  	s4 =	simm.s32 $_scs_section_size  }
0x9a: {  	s5 =	simm.s32 $_size__tile_overlayer_lowered;
	s6 =	simm.s32 $_tile_overlayer_lowered  }
0x9b: {  	s22 =	simm.s32 $0x1BFF;
	s21 =	sshll.u32 s6, $0x1;
	s3 =	sadd.s32 s4, s19  }
0x9c: {  	s7 =	simm.s32 $0x0;
	s20 =	sshll.u32 s5, $0x1;
	s5 =	sadd.s32 s21, s3  }
0x9d: {  	[timem:s7], [sflag:s22] =	dma.local [hbm:s5], s20  }
0x9e: {  	_ =	swait.ge [sflag:s22], s20  }
0x9f: {  	s4 =	ssub.s32 $0x0, s20;
	[sflag:s22] =	ssyncset.done $0x0  }
0xa0: {  	[sflag:s22] =	ssyncadd.s32 s4;
	_ =	sdelay $0x1  }
0xa1: {  	s23 =	simm.s32 $0x1B8B  }
0xa2: {  	_ =	swait.ge [sflag:s23], $0x1  }
0xa3: {  	[sflag:s23] =	ssyncset.done $0x0  }
0xa4: {  	s25 =	simm.s32 $0x1B8E;
	s24 =	sld [smem:$0x3FFE];
	[sflag:s23] =	ssyncadd.s32 $0xFFFFFFFF  }
0xa5: {  	s26 =	simm.s32 $execute0_lowered;
	[smem:$0x3FD2] =	sst s25  }
0xa6: {  	s5 =	sshll.u32 s26, $0x1;
	_ =	strace $0x80000046;
	[dreg:$0x1] =	wrdreg $0xFFFFFFFF  }
0xa7: {  	s28 =	simm.s32 $_size_execute0_lowered;
	s3 =	sadd.s32 s3, s5;
	[dreg:$0x0] =	wrdreg $0x0  }
0xa8: {  	s5 =	sshll.u32 s28, $0x1;
	[dreg:$0x2] =	wrdreg s3  }
0xa9: {  	[dreg:$0x3] =	wrdreg s5  }
0xaa: {  	[dreg:$0x4] =	wrdreg $0xC0  }
0xab: {  	_ =	task [dreg:s7], $0x5FFFF  }
0xac: {  	[dreg:$0x1] =	wrdreg $0xFFFFFFFF  }
0xad: {  	[dreg:$0x0] =	wrdreg $0x60  }
0xae: {  	[dreg:$0x2] =	wrdreg s24  }
0xaf: {  	[dreg:$0x3] =	wrdreg s2  }
0xb0: {  	[dreg:$0x4] =	wrdreg $0x9  }
0xb1: {  	_ =	task.clear_ibuf [dreg:s7], $0x5FFFF;
	_ =	strace $0x90000046  }
0xb2: {  	s29 =	simm.s32 $0x9;
	_ =	strace $0x80000048  }
0xb3: {  	_ =	swait.ge [sflag:s29], $0x1  }
0xb4: {  	[sflag:s29] =	ssyncadd.s32 $0xFFFFFFFF  }
0xb5: {  	_ =	strace $0x90000048  }
0xb6: {  	_ =	sfence  }
0xb7: {  	s30 =	sld [smem:$0x0];
	_ =	sdelay $0x2  }
0xb8: {  	s31 =	sshll.u32 s1, $0xD;
	s1 =	sshrl.u32 s1, $0x2  }
0xb9: {  	s3 =	sand.u32 $0x4000, s31;
	s1 =	sadd.s32 s1, s30  }
0xba: {  	s0 =	sor.u32 s3, s0;
	s1 =	sshll.u32 s1, $0x11  }
0xbb: {  	s0 =	sor.u32 s1, s0  }
0xbc: {  	s0 =	sadd.s32 $0x8F2B, s0  }
0xbd: {  	[sflag:s0] =	ssyncadd.remote.s32 $0x1  }
0xbe: {  	_ =	sfence.sel $0xFFFF  }
0xbf: {  	[dreg:$0x0] =	wrdreg $0xFFFFFFFF;
	(pc) =	sbr.abs _section_cstart, $3  }
0xc0: {  	[dreg:$0x1] =	wrdreg $0xFFFFFFFF  }
0xc1: {  	_ =	task.clear_ibuf [dreg:s7], $0x2FFFF;
	_ =	strace $0x9FFFFFFF  }
0xc2: {  	(tm) =	ssettm $0x7FFFFFFF  }
0xc3: {  	_ =	shalt  }
tec
execute0_lowered:
.L_overlay_start_1:
0x0: {  	(tag) =	ssettag $0x1  }
0x1: {  	s1 =	srdreg.scid;
	s0 =	stileid.u32  }
0x2: {  	s4 =	sand.u32 $0x1, s1;
	s31 =	sshll.u32 s0, $0x1  }
0x3: {  	s5 =	rddreg [dreg:$0x0];
	s1 =	sor.u32 s4, s31  }
0x4: {  	s6 =	rddreg [dreg:$0x1];
	s2 =	simm.s32 $0x0;
	s3 =	smul.u32 $0x28, s1  }
0x5: {  	[smem:$0x7FF] =	sst s2  }
0x6: {  	s1 =	rddreg [dreg:$0x2];
	s18 =	sadd.s32 s3, s5  }
0x7: {  	_ =	strace $0x80000047;
	s3 =	simm.s32 $0x2;
	s7 =	sadd.s32 $0x600, s18  }
0x8: {  	[tilespmem:s2], [sflag:$0x2] =	stream.linear.gather [hbm4b:s7+s2], $0x140, $0x38;
	[tilespmem:$0x480] =	vst v63  }
0x9: {  	_ =	swait.ge [sflag:s3], $0x140  }
0xa: {  	[sflag:s3] =	ssyncset.done $0x0  }
0xb: {  	s8 =	simm.s32 $0x80;
	s9 =	simm.s32 $0x180;
	[sflag:s3] =	ssyncadd.s32 $0xFFFFFEC0  }
0xc: {  	[tilespmem:s9], [sflag:$0x1] =	stream.indirect.gather [hbm4b:s5+s8], $0x1, s2, s8, $0xb8;
	[tilespmem:$0x480] =	vst v63  }
0xd: {  	s10 =	simm.s32 $0x300  }
0xe: {  	[tilespmem:s10], [sflag:$0x1] =	stream.indirect.gather [hbm4b:s6+s8], $0x1, s2, s8, $0xb8;
	[tilespmem:$0x480] =	vst v63  }
0xf: {  	s11 =	simm.s32 $0x200  }
0x10: {  	[tilespmem:s11], [sflag:$0x1] =	stream.indirect.gather [hbm4b:s5+s8], $0x1, s8, s8, $0xb8;
	[tilespmem:$0x480] =	vst v63  }
0x11: {  	s12 =	simm.s32 $0x380  }
0x12: {  	[tilespmem:s12], [sflag:$0x1] =	stream.indirect.gather [hbm4b:s6+s8], $0x1, s8, s8, $0xb8;
	[tilespmem:$0x480] =	vst v63  }
0x13: {  	s13 =	simm.s32 $0x40;
	s14 =	simm.s32 $0x100;
	s15 =	simm.s32 $0x280  }
0x14: {  	[tilespmem:s15], [sflag:$0x1] =	stream.indirect.gather [hbm4b:s5+s13], $0x1, s14, s13, $0xb8;
	[tilespmem:$0x480] =	vst v63  }
0x15: {  	s16 =	simm.s32 $0x400;
	s17 =	simm.s32 $0x1  }
0x16: {  	[tilespmem:s16], [sflag:$0x1] =	stream.indirect.gather [hbm4b:s6+s13], $0x1, s14, s13, $0xb8;
	[tilespmem:$0x480] =	vst v63  }
0x17: {  	_ =	swait.ge [sflag:s17], $0x80  }
0x18: {  	[sflag:s17] =	ssyncset.done $0x0  }
0x19: {  	[sflag:s17] =	ssyncadd.s32 $0xFFFFFF80  }
0x1a: {  	_ =	swait.ge [sflag:s17], $0x80  }
0x1b: {  	[sflag:s17] =	ssyncset.done $0x0  }
0x1c: {  	[sflag:s17] =	ssyncadd.s32 $0xFFFFFF80  }
0x1d: {  	_ =	swait.ge [sflag:s17], $0x80  }
0x1e: {  	[sflag:s17] =	ssyncset.done $0x0  }
0x1f: {  	[sflag:s17] =	ssyncadd.s32 $0xFFFFFF80  }
0x20: {  	_ =	swait.ge [sflag:s17], $0x80  }
0x21: {  	[sflag:s17] =	ssyncset.done $0x0  }
0x22: {  	[sflag:s17] =	ssyncadd.s32 $0xFFFFFF80  }
0x23: {  	_ =	swait.ge [sflag:s17], $0x40  }
0x24: {  	[sflag:s17] =	ssyncset.done $0x0  }
0x25: {  	[sflag:s17] =	ssyncadd.s32 $0xFFFFFFC0  }
0x26: {  	_ =	swait.ge [sflag:s17], $0x40  }
0x27: {  	[sflag:s17] =	ssyncset.done $0x0  }
0x28: {  	[sflag:s17] =	ssyncadd.s32 $0xFFFFFFC0  }
0x29: {  	v0 =	vld [tilespmem:$0x3C0]  }
0x2a: {  	v4 =	vld [tilespmem:$0x3B0]  }
0x2b: {  	s4 =	ssub.s32 $0x2, s4;
	v3 =	vld [tilespmem:$0x3A0]  }
0x2c: {  	s19 =	sshrl.u32 s4, $0x1;
	v1 =	vld [tilespmem:$0x250]  }
0x2d: {  	s4 =	ssub.s32 s4, s19;
	v2 =	vld [tilespmem:$0x240]  }
0x2e: {  	s19 =	smax.u32 s4, $0x1;
	v6 =	vld [tilespmem:$0x390]  }
0x2f: {  	p0 =	sne.s32 s19, $0x1;
	v5 =	vld [tilespmem:$0x230]  }
.Ltmp0:
0x30: {  	v8 =	vld [tilespmem:$0x380];
	(pc) =	sbr.rel @!p0 .LBB2_2-.Ltmp0, $4  }
0x31: {  	v10 =	vld [tilespmem:$0x370]  }
0x32: {  	v11 =	vld [tilespmem:$0x360]  }
0x33: {  	v9 =	vld [tilespmem:$0x210]  }
0x34: {  	s4 =	sadd.s32 $0xC00, s18;
	s18 =	sadd.s32 $0xFFFFFFFF, s19;
	v7 =	vld [tilespmem:$0x330]  }
.LBB2_1:
0x35: {  	p0 =	sne.s32 s18, $0x1;
	s18 =	sadd.s32 $0xFFFFFFFF, s18;
	v12 =	vld [tilespmem:$0x220]  }
0x36: {  	v13 =	vld [tilespmem:$0x200]  }
0x37: {  	v14 =	vld [tilespmem:$0x1F0]  }
0x38: {  	v15 =	vld [tilespmem:$0x410]  }
0x39: {  	v16 =	vld [tilespmem:$0x350]  }
0x3a: {  	v17 =	vld [tilespmem:$0x300]  }
0x3b: {  	v18 =	vld [tilespmem:$0x340]  }
0x3c: {  	v19 =	vld [tilespmem:$0x1E0]  }
0x3d: {  	v20 =	vld [tilespmem:$0x310]  }
0x3e: {  	v21 =	vld [tilespmem:$0x1D0]  }
0x3f: {  	v22 =	vld [tilespmem:$0x1C0]  }
0x40: {  	v23 =	vld [tilespmem:$0x1B0]  }
0x41: {  	v14 =	vmul.u32 $0xD, v14;
	v19 =	vmul.u32 $0xD, v19;
	v24 =	vld [tilespmem:$0x420]  }
0x42: {  	v25 =	vld [tilespmem:$0x190]  }
0x43: {  	v10 =	vadd.s32 v10, v14;
	v11 =	vadd.s32 v11, v19;
	v14 =	vld [tilespmem:$0x430]  }
0x44: {  	v21 =	vmul.u32 $0xD, v21;
	v19 =	vld [tilespmem:$0x320];
	[tilespmem:$0x70] =	vst v10;
	v10 =	vmul.u32 $0xD, v13  }
0x45: {  	v9 =	vmul.u32 $0xD, v9;
	v22 =	vmul.u32 $0xD, v22;
	v13 =	vld [tilespmem:$0x1A0];
	v23 =	vmul.u32 $0xD, v23;
	[tilespmem:$0x60] =	vst v11  }
0x46: {  	v8 =	vadd.s32 v8, v10;
	v10 =	vld [tilespmem:$0x2B0]  }
0x47: {  	v6 =	vadd.s32 v6, v9;
	v11 =	vmul.u32 $0xD, v25;
	[tilespmem:$0x80] =	vst v8;
	v8 =	vmul.u32 $0xD, v12;
	v9 =	vld [tilespmem:$0x2A0]  }
0x48: {  	v5 =	vmul.u32 $0xD, v5;
	v16 =	vadd.s32 v16, v21;
	v12 =	vadd.s32 v18, v22;
	[tilespmem:$0x90] =	vst v6;
	v6 =	vld [tilespmem:$0x290]  }
0x49: {  	v7 =	vadd.s32 v7, v23;
	v18 =	vld [tilespmem:$0x180];
	v11 =	vadd.s32 v20, v11;
	[tilespmem:$0x40] =	vst v12  }
0x4a: {  	v4 =	vadd.s32 v4, v5;
	v3 =	vadd.s32 v3, v8;
	[tilespmem:$0x30] =	vst v7;
	v5 =	vld [tilespmem:$0x3D0]  }
0x4b: {  	v7 =	vmul.u32 $0xD, v13;
	[tilespmem:$0x50] =	vst v16;
	v8 =	vld [tilespmem:$0x260];
	v10 =	vmul.u32 $0xD, v10  }
0x4c: {  	v2 =	vmul.u32 $0xD, v2;
	[tilespmem:$0x10] =	vst v11;
	v11 =	vld [tilespmem:$0x270];
	v9 =	vmul.u32 $0xD, v9  }
0x4d: {  	v1 =	vmul.u32 $0xD, v1;
	[tilespmem:$0xB0] =	vst v4;
	v4 =	vld [tilespmem:$0x3E0];
	v6 =	vmul.u32 $0xD, v6  }
0x4e: {  	v0 =	vadd.s32 v0, v2;
	v7 =	vadd.s32 v19, v7;
	v12 =	vmul.u32 $0xD, v18;
	[tilespmem:$0xA0] =	vst v3;
	v2 =	vld [tilespmem:$0x3F0]  }
0x4f: {  	[tilespmem:$0x20] =	vst v7;
	v1 =	vadd.s32 v5, v1;
	v3 =	vld [tilespmem:$0x280];
	v5 =	vadd.s32 v14, v10  }
0x50: {  	v6 =	vadd.s32 v15, v6;
	v7 =	vmul.u32 $0xD, v8;
	v8 =	vadd.s32 v24, v9;
	[tilespmem:$0x130] =	vst v5  }
0x51: {  	v5 =	vadd.s32 v17, v12;
	v9 =	vmul.u32 $0xD, v11;
	v10 =	vld [tilespmem:$0x400];
	[tilespmem:$0x110] =	vst v6  }
0x52: {  	[tilespmem:$0x0] =	vst v5;
	v4 =	vadd.s32 v4, v7  }
0x53: {  	[tilespmem:$0xC0] =	vst v0;
	v0 =	vadd.s32 v2, v9  }
0x54: {  	v2 =	vmul.u32 $0xD, v3;
	[tilespmem:$0x120] =	vst v8  }
0x55: {  	[tilespmem:$0xE0] =	vst v4  }
0x56: {  	[tilespmem:$0xF0] =	vst v0;
	v0 =	vadd.s32 v10, v2  }
0x57: {  	[tilespmem:$0x100] =	vst v0  }
0x58: {  	[tilespmem:$0xD0] =	vst v1  }
0x59: {  	[hbm4b:s4+s2] =	stream.linear.scatter [tilespmem:s2], [sflag:$0x2], $0x140, $0x38;
	[tilespmem:$0x480] =	vst v63  }
0x5a: {  	_ =	swait.ge [sflag:s3], $0x140  }
0x5b: {  	[sflag:s3] =	ssyncset.done $0x0  }
0x5c: {  	[sflag:s3] =	ssyncadd.s32 $0xFFFFFEC0  }
0x5d: {  	[tilespmem:s2], [sflag:$0x2] =	stream.linear.gather [hbm4b:s7+s2], $0x140, $0x38;
	[tilespmem:$0x480] =	vst v63  }
0x5e: {  	_ =	swait.ge [sflag:s3], $0x140  }
0x5f: {  	[sflag:s3] =	ssyncset.done $0x0  }
0x60: {  	[sflag:s3] =	ssyncadd.s32 $0xFFFFFEC0  }
0x61: {  	[tilespmem:s9], [sflag:$0x1] =	stream.indirect.gather [hbm4b:s5+s8], $0x1, s2, s8, $0xb8;
	[tilespmem:$0x480] =	vst v63  }
0x62: {  	_ = 	snop  }
0x63: {  	[tilespmem:s10], [sflag:$0x1] =	stream.indirect.gather [hbm4b:s6+s8], $0x1, s2, s8, $0xb8;
	[tilespmem:$0x480] =	vst v63  }
0x64: {  	_ = 	snop  }
0x65: {  	[tilespmem:s11], [sflag:$0x1] =	stream.indirect.gather [hbm4b:s5+s8], $0x1, s8, s8, $0xb8;
	[tilespmem:$0x480] =	vst v63  }
0x66: {  	_ = 	snop  }
0x67: {  	[tilespmem:s12], [sflag:$0x1] =	stream.indirect.gather [hbm4b:s6+s8], $0x1, s8, s8, $0xb8;
	[tilespmem:$0x480] =	vst v63  }
0x68: {  	_ = 	snop  }
0x69: {  	[tilespmem:s15], [sflag:$0x1] =	stream.indirect.gather [hbm4b:s5+s13], $0x1, s14, s13, $0xb8;
	[tilespmem:$0x480] =	vst v63  }
0x6a: {  	_ = 	snop  }
0x6b: {  	[tilespmem:s16], [sflag:$0x1] =	stream.indirect.gather [hbm4b:s6+s13], $0x1, s14, s13, $0xb8;
	[tilespmem:$0x480] =	vst v63  }
0x6c: {  	_ =	swait.ge [sflag:s17], $0x80  }
0x6d: {  	[sflag:s17] =	ssyncset.done $0x0  }
0x6e: {  	[sflag:s17] =	ssyncadd.s32 $0xFFFFFF80  }
0x6f: {  	_ =	swait.ge [sflag:s17], $0x80  }
0x70: {  	[sflag:s17] =	ssyncset.done $0x0  }
0x71: {  	[sflag:s17] =	ssyncadd.s32 $0xFFFFFF80  }
0x72: {  	_ =	swait.ge [sflag:s17], $0x80  }
0x73: {  	[sflag:s17] =	ssyncset.done $0x0  }
0x74: {  	[sflag:s17] =	ssyncadd.s32 $0xFFFFFF80  }
0x75: {  	_ =	swait.ge [sflag:s17], $0x80  }
0x76: {  	[sflag:s17] =	ssyncset.done $0x0  }
0x77: {  	[sflag:s17] =	ssyncadd.s32 $0xFFFFFF80  }
0x78: {  	_ =	swait.ge [sflag:s17], $0x40  }
0x79: {  	[sflag:s17] =	ssyncset.done $0x0  }
0x7a: {  	[sflag:s17] =	ssyncadd.s32 $0xFFFFFFC0  }
0x7b: {  	_ =	swait.ge [sflag:s17], $0x40  }
0x7c: {  	[sflag:s17] =	ssyncset.done $0x0  }
0x7d: {  	[sflag:s17] =	ssyncadd.s32 $0xFFFFFFC0  }
0x7e: {  	v0 =	vld [tilespmem:$0x3C0]  }
0x7f: {  	v4 =	vld [tilespmem:$0x3B0]  }
0x80: {  	v3 =	vld [tilespmem:$0x3A0]  }
0x81: {  	v1 =	vld [tilespmem:$0x250]  }
0x82: {  	v2 =	vld [tilespmem:$0x240]  }
0x83: {  	v6 =	vld [tilespmem:$0x390]  }
0x84: {  	v5 =	vld [tilespmem:$0x230]  }
.Ltmp1:
0x85: {  	v8 =	vld [tilespmem:$0x380];
	(pc) =	sbr.rel @p0 .LBB2_1-.Ltmp1, $4  }
0x86: {  	v10 =	vld [tilespmem:$0x370]  }
0x87: {  	v11 =	vld [tilespmem:$0x360]  }
0x88: {  	v9 =	vld [tilespmem:$0x210]  }
0x89: {  	v7 =	vld [tilespmem:$0x330]  }
.LBB2_2:
0x8a: {  	v12 =	vld [tilespmem:$0x220]  }
0x8b: {  	v13 =	vld [tilespmem:$0x200]  }
0x8c: {  	v14 =	vld [tilespmem:$0x1F0]  }
0x8d: {  	v15 =	vld [tilespmem:$0x410]  }
0x8e: {  	v16 =	vld [tilespmem:$0x350]  }
0x8f: {  	v18 =	vld [tilespmem:$0x340]  }
0x90: {  	v19 =	vld [tilespmem:$0x1E0]  }
0x91: {  	v20 =	vld [tilespmem:$0x310]  }
0x92: {  	v21 =	vld [tilespmem:$0x1D0]  }
0x93: {  	v22 =	vld [tilespmem:$0x1C0]  }
0x94: {  	v23 =	vld [tilespmem:$0x1B0]  }
0x95: {  	v5 =	vmul.u32 $0xD, v5;
	v56 =	vld [tilespmem:$0x3D0]  }
0x96: {  	v24 =	vld [tilespmem:$0x420];
	v2 =	vmul.u32 $0xD, v2  }
0x97: {  	v25 =	vld [tilespmem:$0x190];
	v4 =	vadd.s32 v4, v5;
	v9 =	vmul.u32 $0xD, v9  }
0x98: {  	v34 =	vld [tilespmem:$0x320];
	v1 =	vmul.u32 $0xD, v1;
	v0 =	vadd.s32 v0, v2;
	[tilespmem:$0xB0] =	vst v4  }
0x99: {  	v36 =	vld [tilespmem:$0x1A0];
	[tilespmem:$0xC0] =	vst v0;
	v14 =	vmul.u32 $0xD, v14;
	v6 =	vadd.s32 v6, v9  }
0x9a: {  	v39 =	vld [tilespmem:$0x2B0];
	v19 =	vmul.u32 $0xD, v19;
	v1 =	vadd.s32 v56, v1;
	[tilespmem:$0x90] =	vst v6  }
0x9b: {  	v41 =	vld [tilespmem:$0x290];
	v13 =	vmul.u32 $0xD, v13;
	[tilespmem:$0xD0] =	vst v1;
	v10 =	vadd.s32 v10, v14  }
0x9c: {  	v44 =	vld [tilespmem:$0x2A0];
	v35 =	vmul.u32 $0xD, v22;
	v11 =	vadd.s32 v11, v19;
	[tilespmem:$0x70] =	vst v10  }
0x9d: {  	v46 =	vld [tilespmem:$0x260];
	v37 =	vmul.u32 $0xD, v23;
	v8 =	vadd.s32 v8, v13;
	[tilespmem:$0x60] =	vst v11  }
0x9e: {  	v48 =	vld [tilespmem:$0x270];
	v40 =	vmul.u32 $0xD, v25;
	v18 =	vadd.s32 v18, v35;
	[tilespmem:$0x80] =	vst v8  }
0x9f: {  	v49 =	vld [tilespmem:$0x3E0];
	v43 =	vmul.u32 $0xD, v12;
	v7 =	vadd.s32 v7, v37;
	[tilespmem:$0x40] =	vst v18  }
0xa0: {  	v52 =	vld [tilespmem:$0x280];
	v45 =	vmul.u32 $0xD, v36;
	v6 =	vadd.s32 v20, v40;
	[tilespmem:$0x30] =	vst v7  }
0xa1: {  	v53 =	vld [tilespmem:$0x3F0];
	v50 =	vmul.u32 $0xD, v41;
	v3 =	vadd.s32 v3, v43;
	[tilespmem:$0x10] =	vst v6  }
0xa2: {  	v55 =	vld [tilespmem:$0x400];
	v54 =	vmul.u32 $0xD, v44;
	v5 =	vadd.s32 v34, v45;
	[tilespmem:$0xA0] =	vst v3  }
0xa3: {  	v42 =	vld [tilespmem:$0x180];
	v57 =	vmul.u32 $0xD, v46;
	v9 =	vadd.s32 v15, v50;
	[tilespmem:$0x20] =	vst v5  }
0xa4: {  	v33 =	vld [tilespmem:$0x430];
	v59 =	vmul.u32 $0xD, v48;
	v58 =	vadd.s32 v24, v54;
	[tilespmem:$0x110] =	vst v9  }
0xa5: {  	v17 =	vld [tilespmem:$0x300];
	v61 =	vmul.u32 $0xD, v52;
	v60 =	vadd.s32 v49, v57;
	[tilespmem:$0x120] =	vst v58  }
0xa6: {  	v38 =	vmul.u32 $0xD, v21;
	v62 =	vadd.s32 v53, v59;
	[tilespmem:$0xE0] =	vst v60  }
0xa7: {  	v47 =	vmul.u32 $0xD, v39;
	v63 =	vadd.s32 v55, v61;
	[tilespmem:$0xF0] =	vst v62  }
0xa8: {  	v51 =	vmul.u32 $0xD, v42;
	v8 =	vadd.s32 v16, v38;
	[tilespmem:$0x100] =	vst v63  }
0xa9: {  	v6 =	vadd.s32 v33, v47;
	[tilespmem:$0x50] =	vst v8  }
0xaa: {  	v3 =	vadd.s32 v17, v51;
	[tilespmem:$0x130] =	vst v6  }
0xab: {  	[tilespmem:$0x0] =	vst v3  }
0xac: {  	[hbm4b:s4+s2] =	stream.linear.scatter [tilespmem:s2], [sflag:$0x2], $0x140, $0x38;
	[tilespmem:$0x480] =	vst v63  }
0xad: {  	_ =	swait.ge [sflag:s3], $0x140  }
0xae: {  	[sflag:s3] =	ssyncset.done $0x0  }
0xaf: {  	[sflag:s3] =	ssyncadd.s32 $0xFFFFFEC0  }
0xb0: {  	_ =	sfence.sel $0x180000  }
0xb1: {  	[bflag:$0x0] =	sbarrier.arrive $0xFFFF  }
0xb2: {  	p0 =	sne.s32 s0, $0x0;
	_ =	strace $0x90000047  }
0xb3: {  	s0 =	sadd.s32 @!p0 $0x100000, s1;
	[bflag:$0x2] =	sbarrier.arrive $0xFFFF  }
0xb4: {  	[sflag:s0] =	ssyncadd.tile.s32 @!p0 $0x1;
	_ =	shalt  }
.Lfunc_end2:
_tile_overlayer_lowered:
.L_overlay_start_2:
0xb5: {  	(tag) =	ssettag $0x2  }
0xb6: {  	s0 =	rddreg [dreg:$0x0];
	s2 =	stileid.u32  }
0xb7: {  	s1 =	rddreg [dreg:$0x1];
	p0 =	sne.s32 s2, $0x0  }
0xb8: {  	s3 =	rddreg [dreg:$0x2];
	[bflag:$0x3] =	sbarrier.arrive $0xFFFF;
	s2 =	simm.s32 @!p0 $0x1C02  }
0xb9: {  	[timem:s3], [sflag:s2] =	dma.local @!p0 [hbm:s0], s1  }
0xba: {  	s0 =	simm.s32 @!p0 $0x2  }
0xbb: {  	_ =	swait.ge @!p0 [sflag:s0], s1  }
0xbc: {  	s1 =	ssub.s32 @!p0 $0x0, s1;
	[sflag:s0] =	ssyncset.done @!p0 $0x0  }
0xbd: {  	[sflag:s0] =	ssyncadd.s32 @!p0 s1  }
0xbe: {  	[bflag:$0x3] =	sbarrier.arrive $0xFFFF  }
0xbf: {  	_ =	shalt  }

// kernel: kernel.9.cloned.1.call-start
scs
__scs_entry_jumppad:
0x0: {  	(pc) =	sbr.rel $0x88, $3  }
0x1: {  	(tag) =	ssettag $0x0;
	lr =	simm.s32 $0x1  }
0x2: {  	[smem:$0x3F9C] =	sst lr;
	_ =	strace $0xD0000000  }
0x3: {  	_ = 	snop  }
0x4: {  	_ = 	snop  }
0x5: {  	_ = 	snop  }
0x6: {  	_ = 	snop  }
0x7: {  	_ = 	snop  }
__scs_overlays_trampoline_lowered:
0x8: {  	[smem:$0x3FAB] =	sst s0  }
0x9: {  	[smem:$0x3FAC] =	sst s1  }
0xa: {  	[smem:$0x3FAD] =	sst s2  }
0xb: {  	[smem:$0x3FAE] =	sst s3  }
0xc: {  	[smem:$0x3FAF] =	sst s4  }
0xd: {  	[smem:$0x3FB0] =	sst s5  }
0xe: {  	[smem:$0x3FB1] =	sst s6  }
0xf: {  	[smem:$0x3FB2] =	sst s7  }
0x10: {  	[smem:$0x3FB3] =	sst s8  }
0x11: {  	[smem:$0x3FB4] =	sst s9;
	s0 =	simm.s32 @!p0 $0x0  }
0x12: {  	s1 =	sld [smem:$0x3F9A];
	s0 =	simm.s32 @p0 $0x1  }
0x13: {  	[smem:$0x3FB5] =	sst s0;
	s0 =	simm.s32 @!p1 $0x0  }
0x14: {  	s2 =	sld [smem:$0x3F99];
	s0 =	simm.s32 @p1 $0x1  }
0x15: {  	[smem:$0x3FB6] =	sst s0;
	s0 =	simm.s32 @!p2 $0x0  }
0x16: {  	s3 =	sld [smem:$0x3FDB];
	s0 =	simm.s32 @p2 $0x1  }
0x17: {  	s4 =	simm.s32 $0x1BF5;
	[smem:$0x3FB8] =	sst s0  }
0x18: {  	s0 =	sld [smem:$0x3F9B];
	_ =	swait.ge [sflag:s4], $0x0  }
0x19: {  	s7 =	sld [smem:$0x3F9C]  }
0x1a: {  	s8 =	sadd.s32 $0xFFFFE003, lr  }
0x1b: {  	s9 =	sadd.s32 $0xFFFFFEF7, lr;
	s5 =	simm.s32 $0xFFFFFFFF;
	p2 =	slt.u32 s8, $0xFFFFF086  }
0x1c: {  	p1 =	slt.u32 s9, $0xF7A;
	s5 =	simm.s32 @!p2 $0x0  }
0x1d: {  	s5 =	simm.s32 @p1 $0x1;
	p0 =	seq.s32 s7, s2  }
0x1e: {  	s7 =	smul.u32 @!p0 $0xF7A, s2;
	p2 =	seq.s32 @!p0 s5, $0x0  }
0x1f: {  	s9 =	smul.u32 $0xF7A, s1;
	s8 =	simm.s32 @!p0 $0x1BF5;
	p2 =	por !p2, p0  }
0x20: {  	[sflag:s8] =	ssyncset.s32 @!p0 $0xFFFFF086;
	s6 =	sadd.s32 @!p0 s3, s7;
	s7 =	simm.s32 @!p0 $0x108  }
0x21: {  	s3 =	sadd.s32 s3, s9;
	s6 =	sadd.s32 @!p0 $0x88, s6;
	s7 =	simm.s32 @p2 $0x1082  }
0x22: {  	[simem:s7], [sflag:s8] =	dma.local @!p0 [hbm:s6], $0xF7A  }
0x23: {  	s9 =	sor.u32 $0xD0000000, s2;
	s6 =	simm.s32 $0x108;
	_ =	swait.ge @!p0 [sflag:s8], $0x0  }
0x24: {  	s3 =	sadd.s32 $0x88, s3;
	s6 =	simm.s32 @!p1 $0x1082;
	[sflag:s4] =	ssyncset.s32 $0xFFFFF086  }
0x25: {  	[simem:s6], [sflag:s4] =	dma.local [hbm:s3], $0xF7A  }
0x26: {  	[smem:$0x3F9C] =	sst s1;
	(tag) =	ssettag s2;
	_ =	strace s9  }
0x27: {  	s1 =	sld [smem:$0x3FAC]  }
0x28: {  	s2 =	sld [smem:$0x3FAD]  }
0x29: {  	s4 =	sld [smem:$0x3FAF]  }
0x2a: {  	p0 =	seq.s32 s5, $0x0;
	s5 =	sld [smem:$0x3FB0]  }
0x2b: {  	s6 =	sld [smem:$0x3FB1]  }
0x2c: {  	s7 =	sld [smem:$0x3FB2]  }
0x2d: {  	s3 =	simm.s32 $0x108;
	s8 =	sld [smem:$0x3FB3]  }
0x2e: {  	s3 =	simm.s32 @!p0 $0x1082;
	s9 =	sld [smem:$0x3FB4]  }
0x2f: {  	lr =	sadd.s32 s0, s3;
	s0 =	sld [smem:$0x3FAB]  }
0x30: {  	s3 =	sld [smem:$0x3FAE]  }
0x31: {  	[smem:$0x3FB7] =	sst s10  }
0x32: {  	s10 =	sld [smem:$0x3FB5];
	_ =	sdelay $0x3  }
0x33: {  	p0 =	seq.s32 s10, $0x1;
	s10 =	sld [smem:$0x3FB7];
	_ =	sdelay $0x3  }
0x34: {  	[smem:$0x3FB7] =	sst s10  }
0x35: {  	s10 =	sld [smem:$0x3FB6];
	_ =	sdelay $0x3  }
0x36: {  	p1 =	seq.s32 s10, $0x1;
	s10 =	sld [smem:$0x3FB7];
	_ =	sdelay $0x3  }
0x37: {  	[smem:$0x3FB7] =	sst s10  }
0x38: {  	s10 =	sld [smem:$0x3FB8]  }
0x39: {  	_ = 	snop;
	(pc) =	sbr.ind lr, $3  }
0x3a: {  	_ = 	snop  }
0x3b: {  	_ = 	snop  }
0x3c: {  	p2 =	seq.s32 s10, $0x1;
	s10 =	sld [smem:$0x3FB7]  }
0x3d: {  	_ =	shalt  }
0x3e: {  	_ =	shalt  }
0x3f: {  	_ =	shalt  }
0x40: {  	_ =	shalt  }
0x41: {  	_ =	shalt  }
0x42: {  	_ =	shalt  }
0x43: {  	_ =	shalt  }
0x44: {  	_ =	shalt  }
0x45: {  	_ =	shalt  }
0x46: {  	_ =	shalt  }
0x47: {  	_ =	shalt  }
0x48: {  	_ =	shalt  }
0x49: {  	_ =	shalt  }
0x4a: {  	_ =	shalt  }
0x4b: {  	_ =	shalt  }
0x4c: {  	_ =	shalt  }
0x4d: {  	_ =	shalt  }
0x4e: {  	_ =	shalt  }
0x4f: {  	_ =	shalt  }
0x50: {  	_ =	shalt  }
0x51: {  	_ =	shalt  }
0x52: {  	_ =	shalt  }
0x53: {  	_ =	shalt  }
0x54: {  	_ =	shalt  }
0x55: {  	_ =	shalt  }
0x56: {  	_ =	shalt  }
0x57: {  	_ =	shalt  }
0x58: {  	_ =	shalt  }
0x59: {  	_ =	shalt  }
0x5a: {  	_ =	shalt  }
0x5b: {  	_ =	shalt  }
0x5c: {  	_ =	shalt  }
0x5d: {  	_ =	shalt  }
0x5e: {  	_ =	shalt  }
0x5f: {  	_ =	shalt  }
0x60: {  	_ =	shalt  }
0x61: {  	_ =	shalt  }
0x62: {  	_ =	shalt  }
0x63: {  	_ =	shalt  }
0x64: {  	_ =	shalt  }
0x65: {  	_ =	shalt  }
0x66: {  	_ =	shalt  }
0x67: {  	_ =	shalt  }
0x68: {  	_ =	shalt  }
0x69: {  	_ =	shalt  }
0x6a: {  	_ =	shalt  }
0x6b: {  	_ =	shalt  }
0x6c: {  	_ =	shalt  }
0x6d: {  	_ =	shalt  }
0x6e: {  	_ =	shalt  }
0x6f: {  	_ =	shalt  }
0x70: {  	_ =	shalt  }
0x71: {  	_ =	shalt  }
0x72: {  	_ =	shalt  }
0x73: {  	_ =	shalt  }
0x74: {  	_ =	shalt  }
0x75: {  	_ =	shalt  }
0x76: {  	_ =	shalt  }
0x77: {  	_ =	shalt  }
0x78: {  	_ =	shalt  }
0x79: {  	_ =	shalt  }
0x7a: {  	_ =	shalt  }
0x7b: {  	_ =	shalt  }
0x7c: {  	_ =	shalt  }
0x7d: {  	_ =	shalt  }
0x7e: {  	_ =	shalt  }
0x7f: {  	_ =	shalt  }
0x80: {  	_ =	shalt  }
0x81: {  	_ =	shalt  }
0x82: {  	_ =	shalt  }
0x83: {  	_ =	shalt  }
0x84: {  	_ =	shalt  }
0x85: {  	_ =	shalt  }
0x86: {  	_ =	shalt  }
0x87: {  	_ =	shalt  }
.Lfunc_end0:
.L_simem_size_0:
called_computation.1_lowered:
.L_overlay_start_0:
0x88: {  	s2 =	sld [smem:$0x3FD9]  }
0x89: {  	s3 =	sld [smem:$0x3FFE];
	_ =	sdelay $0x1  }
0x8a: {  	s1 =	srdreg.scid  }
0x8b: {  	s0 =	sand.u32 $0x1, s1  }
0x8c: {  	s17 =	sshll.u32 s0, $0xA;
	s2 =	sadd.s32 s3, s2  }
0x8d: {  	s2 =	sadd.s32 s2, s17  }
0x8e: {  	[smem:$0x3FC3] =	sst s2  }
0x8f: {  	_ = 	snop  }
0x90: {  	s2 =	sld [smem:$0x3FD0];
	(tm) =	ssettm $0x1  }
0x91: {  	s18 =	sld [smem:$0x3FFB];
	_ =	sdelay $0x3  }
0x92: {  	_ =	strace s18  }
0x93: {  	s3 =	sld [smem:$0x3FFC];
	_ =	sdelay $0x3  }
0x94: {  	_ =	strace s3  }
0x95: {  	s3 =	sld [smem:$0x3FFD];
	_ =	sdelay $0x3  }
0x96: {  	_ =	strace s3  }
0x97: {  	_ =	strace $0x8FFFFFFF  }
0x98: {  	s19 =	sld [smem:$0x3FDB];
	_ =	sdelay $0x1  }
0x99: {  	s4 =	simm.s32 $_scs_section_size  }
0x9a: {  	s5 =	simm.s32 $_size__tile_overlayer_lowered;
	s6 =	simm.s32 $_tile_overlayer_lowered  }
0x9b: {  	s22 =	simm.s32 $0x1BFF;
	s21 =	sshll.u32 s6, $0x1;
	s3 =	sadd.s32 s4, s19  }
0x9c: {  	s7 =	simm.s32 $0x0;
	s20 =	sshll.u32 s5, $0x1;
	s5 =	sadd.s32 s21, s3  }
0x9d: {  	[timem:s7], [sflag:s22] =	dma.local [hbm:s5], s20  }
0x9e: {  	_ =	swait.ge [sflag:s22], s20  }
0x9f: {  	s4 =	ssub.s32 $0x0, s20;
	[sflag:s22] =	ssyncset.done $0x0  }
0xa0: {  	[sflag:s22] =	ssyncadd.s32 s4;
	_ =	sdelay $0x1  }
0xa1: {  	s23 =	simm.s32 $0x1B8B  }
0xa2: {  	_ =	swait.ge [sflag:s23], $0x1  }
0xa3: {  	[sflag:s23] =	ssyncset.done $0x0  }
0xa4: {  	s25 =	simm.s32 $0x1B8E;
	s24 =	sld [smem:$0x3FFE];
	[sflag:s23] =	ssyncadd.s32 $0xFFFFFFFF  }
0xa5: {  	s26 =	simm.s32 $execute0_lowered;
	[smem:$0x3FD2] =	sst s25  }
0xa6: {  	s5 =	sshll.u32 s26, $0x1;
	_ =	strace $0x80000049;
	[dreg:$0x1] =	wrdreg $0xFFFFFFFF  }
0xa7: {  	s28 =	simm.s32 $_size_execute0_lowered;
	s3 =	sadd.s32 s3, s5;
	[dreg:$0x0] =	wrdreg $0x0  }
0xa8: {  	s5 =	sshll.u32 s28, $0x1;
	[dreg:$0x2] =	wrdreg s3  }
0xa9: {  	[dreg:$0x3] =	wrdreg s5  }
0xaa: {  	[dreg:$0x4] =	wrdreg $0xC0  }
0xab: {  	_ =	task [dreg:s7], $0x5FFFF  }
0xac: {  	[dreg:$0x1] =	wrdreg $0xFFFFFFFF  }
0xad: {  	[dreg:$0x0] =	wrdreg $0x60  }
0xae: {  	[dreg:$0x2] =	wrdreg s24  }
0xaf: {  	[dreg:$0x3] =	wrdreg s2  }
0xb0: {  	[dreg:$0x4] =	wrdreg $0x9  }
0xb1: {  	_ =	task.clear_ibuf [dreg:s7], $0x5FFFF;
	_ =	strace $0x90000049  }
0xb2: {  	s29 =	simm.s32 $0x9;
	_ =	strace $0x8000004B  }
0xb3: {  	_ =	swait.ge [sflag:s29], $0x1  }
0xb4: {  	[sflag:s29] =	ssyncadd.s32 $0xFFFFFFFF  }
0xb5: {  	_ =	strace $0x9000004B  }
0xb6: {  	_ =	sfence  }
0xb7: {  	s30 =	sld [smem:$0x0];
	_ =	sdelay $0x2  }
0xb8: {  	s31 =	sshll.u32 s1, $0xD;
	s1 =	sshrl.u32 s1, $0x2  }
0xb9: {  	s3 =	sand.u32 $0x4000, s31;
	s1 =	sadd.s32 s1, s30  }
0xba: {  	s0 =	sor.u32 s3, s0;
	s1 =	sshll.u32 s1, $0x11  }
0xbb: {  	s0 =	sor.u32 s1, s0  }
0xbc: {  	s0 =	sadd.s32 $0x8F2B, s0  }
0xbd: {  	[sflag:s0] =	ssyncadd.remote.s32 $0x1  }
0xbe: {  	_ =	sfence.sel $0xFFFF  }
0xbf: {  	[dreg:$0x0] =	wrdreg $0xFFFFFFFF;
	(pc) =	sbr.abs _section_cstart, $3  }
0xc0: {  	[dreg:$0x1] =	wrdreg $0xFFFFFFFF  }
0xc1: {  	_ =	task.clear_ibuf [dreg:s7], $0x2FFFF;
	_ =	strace $0x9FFFFFFF  }
0xc2: {  	(tm) =	ssettm $0x7FFFFFFF  }
0xc3: {  	_ =	shalt  }
tec
execute0_lowered:
.L_overlay_start_1:
0x0: {  	(tag) =	ssettag $0x1  }
0x1: {  	s1 =	srdreg.scid;
	s0 =	stileid.u32  }
0x2: {  	s25 =	rddreg [dreg:$0x0];
	s24 =	sand.u32 $0x1, s1;
	s30 =	sshll.u32 s0, $0x1  }
0x3: {  	s26 =	rddreg [dreg:$0x1];
	s28 =	sor.u32 s24, s30  }
0x4: {  	s2 =	simm.s32 $0x0;
	s1 =	rddreg [dreg:$0x2];
	s3 =	smul.u32 $0x28, s28  }
0x5: {  	[smem:$0x7FF] =	sst s2  }
0x6: {  	_ =	strace $0x8000004A;
	s4 =	sadd.s32 s25, s3;
	s3 =	simm.s32 $0x2  }
0x7: {  	[tilespmem:s2], [sflag:$0x2] =	stream.linear.gather [hbm4b:s4+s2], $0x140, $0x38;
	[tilespmem:$0x14480] =	vst v63  }
0x8: {  	_ =	swait.ge [sflag:s3], $0x140  }
0x9: {  	s6 =	simm.s32 $0x80;
	[sflag:s3] =	ssyncset.done $0x0  }
0xa: {  	s7 =	simm.s32 $0x180;
	s5 =	sadd.s32 $0x600, s25;
	[sflag:s3] =	ssyncadd.s32 $0xFFFFFEC0  }
0xb: {  	[tilespmem:s7], [sflag:$0x1] =	stream.indirect.gather [hbm4b:s5+s6], $0x1, s2, s6, $0xb8;
	[tilespmem:$0x14480] =	vst v63  }
0xc: {  	s9 =	simm.s32 $0x300;
	s8 =	sadd.s32 $0x1200, s25  }
0xd: {  	[tilespmem:s9], [sflag:$0x1] =	stream.indirect.gather [hbm4b:s8+s6], $0x1, s2, s6, $0xb8;
	[tilespmem:$0x14480] =	vst v63  }
0xe: {  	s10 =	simm.s32 $0x200  }
0xf: {  	[tilespmem:s10], [sflag:$0x1] =	stream.indirect.gather [hbm4b:s5+s6], $0x1, s6, s6, $0xb8;
	[tilespmem:$0x14480] =	vst v63  }
0x10: {  	s11 =	simm.s32 $0x380  }
0x11: {  	[tilespmem:s11], [sflag:$0x1] =	stream.indirect.gather [hbm4b:s8+s6], $0x1, s6, s6, $0xb8;
	[tilespmem:$0x14480] =	vst v63  }
0x12: {  	s12 =	simm.s32 $0x40;
	s13 =	simm.s32 $0x100;
	s14 =	simm.s32 $0x280  }
0x13: {  	[tilespmem:s14], [sflag:$0x1] =	stream.indirect.gather [hbm4b:s5+s12], $0x1, s13, s12, $0xb8;
	[tilespmem:$0x14480] =	vst v63  }
0x14: {  	s15 =	simm.s32 $0x400;
	s16 =	simm.s32 $0x1  }
0x15: {  	[tilespmem:s15], [sflag:$0x1] =	stream.indirect.gather [hbm4b:s8+s12], $0x1, s13, s12, $0xb8;
	[tilespmem:$0x14480] =	vst v63  }
0x16: {  	_ =	swait.ge [sflag:s16], $0x80  }
0x17: {  	[sflag:s16] =	ssyncset.done $0x0  }
0x18: {  	[sflag:s16] =	ssyncadd.s32 $0xFFFFFF80  }
0x19: {  	_ =	swait.ge [sflag:s16], $0x80  }
0x1a: {  	[sflag:s16] =	ssyncset.done $0x0  }
0x1b: {  	[sflag:s16] =	ssyncadd.s32 $0xFFFFFF80  }
0x1c: {  	_ =	swait.ge [sflag:s16], $0x80  }
0x1d: {  	[sflag:s16] =	ssyncset.done $0x0  }
0x1e: {  	[sflag:s16] =	ssyncadd.s32 $0xFFFFFF80  }
0x1f: {  	_ =	swait.ge [sflag:s16], $0x80  }
0x20: {  	[sflag:s16] =	ssyncset.done $0x0  }
0x21: {  	[sflag:s16] =	ssyncadd.s32 $0xFFFFFF80  }
0x22: {  	_ =	swait.ge [sflag:s16], $0x40  }
0x23: {  	[sflag:s16] =	ssyncset.done $0x0  }
0x24: {  	[sflag:s16] =	ssyncadd.s32 $0xFFFFFFC0  }
0x25: {  	_ =	swait.ge [sflag:s16], $0x40  }
0x26: {  	[sflag:s16] =	ssyncset.done $0x0  }
0x27: {  	s18 =	simm.s32 $0x480;
	s17 =	sadd.s32 $0x1800, s25;
	[sflag:s16] =	ssyncadd.s32 $0xFFFFFFC0  }
0x28: {  	[tilespmem:s18], [sflag:$0x1] =	stream.indirect.gather [hbm4b:s17+s6], $0x80, s7, s6, $0xb8;
	[tilespmem:$0x14480] =	vst v63  }
0x29: {  	s19 =	simm.s32 $0xA480  }
0x2a: {  	[tilespmem:s19], [sflag:$0x1] =	stream.indirect.gather [hbm4b:s17+s6], $0x80, s9, s6, $0xb8;
	[tilespmem:$0x14480] =	vst v63  }
0x2b: {  	s20 =	simm.s32 $0x4480  }
0x2c: {  	[tilespmem:s20], [sflag:$0x1] =	stream.indirect.gather [hbm4b:s17+s6], $0x80, s10, s6, $0xb8;
	[tilespmem:$0x14480] =	vst v63  }
0x2d: {  	s21 =	simm.s32 $0xE480  }
0x2e: {  	[tilespmem:s21], [sflag:$0x1] =	stream.indirect.gather [hbm4b:s17+s6], $0x80, s11, s6, $0xb8;
	[tilespmem:$0x14480] =	vst v63  }
0x2f: {  	s22 =	simm.s32 $0x8480  }
0x30: {  	[tilespmem:s22], [sflag:$0x1] =	stream.indirect.gather [hbm4b:s17+s12], $0x80, s14, s12, $0xb8;
	[tilespmem:$0x14480] =	vst v63  }
0x31: {  	s23 =	simm.s32 $0x12480  }
0x32: {  	[tilespmem:s23], [sflag:$0x1] =	stream.indirect.gather [hbm4b:s17+s12], $0x80, s15, s12, $0xb8;
	[tilespmem:$0x14480] =	vst v63  }
0x33: {  	_ =	swait.ge [sflag:s16], $0x4000  }
0x34: {  	[sflag:s16] =	ssyncset.done $0x0  }
0x35: {  	[sflag:s16] =	ssyncadd.s32 $0xFFFFC000  }
0x36: {  	_ =	swait.ge [sflag:s16], $0x4000  }
0x37: {  	[sflag:s16] =	ssyncset.done $0x0  }
0x38: {  	[sflag:s16] =	ssyncadd.s32 $0xFFFFC000  }
0x39: {  	_ =	swait.ge [sflag:s16], $0x4000  }
0x3a: {  	[sflag:s16] =	ssyncset.done $0x0  }
0x3b: {  	[sflag:s16] =	ssyncadd.s32 $0xFFFFC000  }
0x3c: {  	_ =	swait.ge [sflag:s16], $0x4000  }
0x3d: {  	[sflag:s16] =	ssyncset.done $0x0  }
0x3e: {  	[sflag:s16] =	ssyncadd.s32 $0xFFFFC000  }
0x3f: {  	_ =	swait.ge [sflag:s16], $0x2000  }
0x40: {  	[sflag:s16] =	ssyncset.done $0x0  }
0x41: {  	s29 =	ssub.s32 $0x2, s24;
	s28 =	smul.u32 $0x1400, s28;
	[sflag:s16] =	ssyncadd.s32 $0xFFFFE000  }
0x42: {  	s31 =	sshrl.u32 s29, $0x1;
	_ =	swait.ge [sflag:s16], $0x2000  }
0x43: {  	s24 =	sadd.s32 s26, s28;
	s26 =	ssub.s32 s29, s31;
	[sflag:s16] =	ssyncset.done $0x0  }
0x44: {  	s26 =	smax.u32 s26, $0x1;
	[sflag:s16] =	ssyncadd.s32 $0xFFFFE000  }
0x45: {  	[hbm4b:s24+s2] =	stream.linear.scatter [tilespmem:s18], [sflag:$0x2], $0xA000, $0x38;
	[tilespmem:$0x14480] =	vst v63  }
0x46: {  	p0 =	sne.s32 s26, $0x1;
	_ =	swait.ge [sflag:s3], $0xA000  }
.Ltmp0:
0x47: {  	s25 =	sadd.s32 s28, s25;
	[sflag:s3] =	ssyncset.done $0x0;
	(pc) =	sbr.rel @!p0 .LBB2_2-.Ltmp0, $4  }
0x48: {  	s25 =	sadd.s32 $0x28A00, s25;
	[sflag:s3] =	ssyncadd.s32 $0xFFFF6000  }
0x49: {  	[hbm4b:s25+s2] =	stream.linear.scatter [tilespmem:s19], [sflag:$0x2], $0xA000, $0x38;
	[tilespmem:$0x14480] =	vst v63  }
0x4a: {  	_ =	swait.ge [sflag:s3], $0xA000  }
0x4b: {  	s26 =	sadd.s32 $0xFFFFFFFF, s26;
	[sflag:s3] =	ssyncset.done $0x0  }
.LBB2_1:
0x4c: {  	p0 =	sne.s32 s26, $0x1;
	s26 =	sadd.s32 $0xFFFFFFFF, s26;
	[sflag:s3] =	ssyncadd.s32 $0xFFFF6000  }
0x4d: {  	[tilespmem:s2], [sflag:$0x2] =	stream.linear.gather [hbm4b:s4+s2], $0x140, $0x38;
	[tilespmem:$0x14480] =	vst v63  }
0x4e: {  	_ =	swait.ge [sflag:s3], $0x140  }
0x4f: {  	[sflag:s3] =	ssyncset.done $0x0  }
0x50: {  	[sflag:s3] =	ssyncadd.s32 $0xFFFFFEC0  }
0x51: {  	[tilespmem:s7], [sflag:$0x1] =	stream.indirect.gather [hbm4b:s5+s6], $0x1, s2, s6, $0xb8;
	[tilespmem:$0x14480] =	vst v63  }
0x52: {  	_ = 	snop  }
0x53: {  	[tilespmem:s9], [sflag:$0x1] =	stream.indirect.gather [hbm4b:s8+s6], $0x1, s2, s6, $0xb8;
	[tilespmem:$0x14480] =	vst v63  }
0x54: {  	_ = 	snop  }
0x55: {  	[tilespmem:s10], [sflag:$0x1] =	stream.indirect.gather [hbm4b:s5+s6], $0x1, s6, s6, $0xb8;
	[tilespmem:$0x14480] =	vst v63  }
0x56: {  	_ = 	snop  }
0x57: {  	[tilespmem:s11], [sflag:$0x1] =	stream.indirect.gather [hbm4b:s8+s6], $0x1, s6, s6, $0xb8;
	[tilespmem:$0x14480] =	vst v63  }
0x58: {  	_ = 	snop  }
0x59: {  	[tilespmem:s14], [sflag:$0x1] =	stream.indirect.gather [hbm4b:s5+s12], $0x1, s13, s12, $0xb8;
	[tilespmem:$0x14480] =	vst v63  }
0x5a: {  	_ = 	snop  }
0x5b: {  	[tilespmem:s15], [sflag:$0x1] =	stream.indirect.gather [hbm4b:s8+s12], $0x1, s13, s12, $0xb8;
	[tilespmem:$0x14480] =	vst v63  }
0x5c: {  	_ =	swait.ge [sflag:s16], $0x80  }
0x5d: {  	[sflag:s16] =	ssyncset.done $0x0  }
0x5e: {  	[sflag:s16] =	ssyncadd.s32 $0xFFFFFF80  }
0x5f: {  	_ =	swait.ge [sflag:s16], $0x80  }
0x60: {  	[sflag:s16] =	ssyncset.done $0x0  }
0x61: {  	[sflag:s16] =	ssyncadd.s32 $0xFFFFFF80  }
0x62: {  	_ =	swait.ge [sflag:s16], $0x80  }
0x63: {  	[sflag:s16] =	ssyncset.done $0x0  }
0x64: {  	[sflag:s16] =	ssyncadd.s32 $0xFFFFFF80  }
0x65: {  	_ =	swait.ge [sflag:s16], $0x80  }
0x66: {  	[sflag:s16] =	ssyncset.done $0x0  }
0x67: {  	[sflag:s16] =	ssyncadd.s32 $0xFFFFFF80  }
0x68: {  	_ =	swait.ge [sflag:s16], $0x40  }
0x69: {  	[sflag:s16] =	ssyncset.done $0x0  }
0x6a: {  	[sflag:s16] =	ssyncadd.s32 $0xFFFFFFC0  }
0x6b: {  	_ =	swait.ge [sflag:s16], $0x40  }
0x6c: {  	[sflag:s16] =	ssyncset.done $0x0  }
0x6d: {  	[sflag:s16] =	ssyncadd.s32 $0xFFFFFFC0  }
0x6e: {  	[tilespmem:s18], [sflag:$0x1] =	stream.indirect.gather [hbm4b:s17+s6], $0x80, s7, s6, $0xb8;
	[tilespmem:$0x14480] =	vst v63  }
0x6f: {  	_ = 	snop  }
0x70: {  	[tilespmem:s19], [sflag:$0x1] =	stream.indirect.gather [hbm4b:s17+s6], $0x80, s9, s6, $0xb8;
	[tilespmem:$0x14480] =	vst v63  }
0x71: {  	_ = 	snop  }
0x72: {  	[tilespmem:s20], [sflag:$0x1] =	stream.indirect.gather [hbm4b:s17+s6], $0x80, s10, s6, $0xb8;
	[tilespmem:$0x14480] =	vst v63  }
0x73: {  	_ = 	snop  }
0x74: {  	[tilespmem:s21], [sflag:$0x1] =	stream.indirect.gather [hbm4b:s17+s6], $0x80, s11, s6, $0xb8;
	[tilespmem:$0x14480] =	vst v63  }
0x75: {  	_ = 	snop  }
0x76: {  	[tilespmem:s22], [sflag:$0x1] =	stream.indirect.gather [hbm4b:s17+s12], $0x80, s14, s12, $0xb8;
	[tilespmem:$0x14480] =	vst v63  }
0x77: {  	_ = 	snop  }
0x78: {  	[tilespmem:s23], [sflag:$0x1] =	stream.indirect.gather [hbm4b:s17+s12], $0x80, s15, s12, $0xb8;
	[tilespmem:$0x14480] =	vst v63  }
0x79: {  	_ =	swait.ge [sflag:s16], $0x4000  }
0x7a: {  	[sflag:s16] =	ssyncset.done $0x0  }
0x7b: {  	[sflag:s16] =	ssyncadd.s32 $0xFFFFC000  }
0x7c: {  	_ =	swait.ge [sflag:s16], $0x4000  }
0x7d: {  	[sflag:s16] =	ssyncset.done $0x0  }
0x7e: {  	[sflag:s16] =	ssyncadd.s32 $0xFFFFC000  }
0x7f: {  	_ =	swait.ge [sflag:s16], $0x4000  }
0x80: {  	[sflag:s16] =	ssyncset.done $0x0  }
0x81: {  	[sflag:s16] =	ssyncadd.s32 $0xFFFFC000  }
0x82: {  	_ =	swait.ge [sflag:s16], $0x4000  }
0x83: {  	[sflag:s16] =	ssyncset.done $0x0  }
0x84: {  	[sflag:s16] =	ssyncadd.s32 $0xFFFFC000  }
0x85: {  	_ =	swait.ge [sflag:s16], $0x2000  }
0x86: {  	[sflag:s16] =	ssyncset.done $0x0  }
0x87: {  	[sflag:s16] =	ssyncadd.s32 $0xFFFFE000  }
0x88: {  	_ =	swait.ge [sflag:s16], $0x2000  }
0x89: {  	[sflag:s16] =	ssyncset.done $0x0  }
0x8a: {  	[sflag:s16] =	ssyncadd.s32 $0xFFFFE000  }
0x8b: {  	[hbm4b:s24+s2] =	stream.linear.scatter [tilespmem:s18], [sflag:$0x2], $0xA000, $0x38;
	[tilespmem:$0x14480] =	vst v63  }
0x8c: {  	_ =	swait.ge [sflag:s3], $0xA000  }
.Ltmp1:
0x8d: {  	[sflag:s3] =	ssyncset.done $0x0;
	(pc) =	sbr.rel @p0 .LBB2_1-.Ltmp1, $4  }
0x8e: {  	[sflag:s3] =	ssyncadd.s32 $0xFFFF6000  }
0x8f: {  	[hbm4b:s25+s2] =	stream.linear.scatter [tilespmem:s19], [sflag:$0x2], $0xA000, $0x38;
	[tilespmem:$0x14480] =	vst v63  }
0x90: {  	_ =	swait.ge [sflag:s3], $0xA000  }
0x91: {  	[sflag:s3] =	ssyncset.done $0x0  }
.LBB2_2:
0x92: {  	[sflag:s3] =	ssyncadd.s32 $0xFFFF6000  }
0x93: {  	_ =	sfence.sel $0x180000  }
0x94: {  	[bflag:$0x0] =	sbarrier.arrive $0xFFFF  }
0x95: {  	p0 =	sne.s32 s0, $0x0;
	_ =	strace $0x9000004A  }
0x96: {  	s0 =	sadd.s32 @!p0 $0x100000, s1;
	[bflag:$0x2] =	sbarrier.arrive $0xFFFF  }
0x97: {  	[sflag:s0] =	ssyncadd.tile.s32 @!p0 $0x1;
	_ =	shalt  }
.Lfunc_end2:
_tile_overlayer_lowered:
.L_overlay_start_2:
0x98: {  	(tag) =	ssettag $0x2  }
0x99: {  	s0 =	rddreg [dreg:$0x0];
	s2 =	stileid.u32  }
0x9a: {  	s1 =	rddreg [dreg:$0x1];
	p0 =	sne.s32 s2, $0x0  }
0x9b: {  	s3 =	rddreg [dreg:$0x2];
	[bflag:$0x3] =	sbarrier.arrive $0xFFFF;
	s2 =	simm.s32 @!p0 $0x1C02  }
0x9c: {  	[timem:s3], [sflag:s2] =	dma.local @!p0 [hbm:s0], s1  }
0x9d: {  	s0 =	simm.s32 @!p0 $0x2  }
0x9e: {  	_ =	swait.ge @!p0 [sflag:s0], s1  }
0x9f: {  	s1 =	ssub.s32 @!p0 $0x0, s1;
	[sflag:s0] =	ssyncset.done @!p0 $0x0  }
0xa0: {  	[sflag:s0] =	ssyncadd.s32 @!p0 s1  }
0xa1: {  	[bflag:$0x3] =	sbarrier.arrive $0xFFFF  }
0xa2: {  	_ =	shalt  }

</sc_bundles>
